<compile_context>
chip_gen: v7x
topology: tpu7x:2x2x1
jax: 0.10.2.dev20260603
libtpu: 0.0.44.dev20260713+nightly
codegen_flags: <defaults>
</compile_context>

<pallas_src>
import functools

import jax
import jax.numpy as jnp
from jax import lax
from jax.experimental import pallas as pl
from jax.experimental.pallas import tpu as pltpu
from jax.experimental.pallas import tpu_sc as plsc

B, S, H, V = 4, 8192, 128, 100
BS = B * S
VP = 128
CHUNK = 128
NBUF = 4
TBLK = 512


def _tables_body(emb_ref, w1t_ref, b1_ref, w2t_ref, b2_ref, t12_ref):
    t1 = jnp.dot(emb_ref[:], w1t_ref[:],
                 preferred_element_type=jnp.float32) + b1_ref[:]
    t12_ref[:, :H] = t1
    t12_ref[:, H:] = jnp.dot(t1, w2t_ref[:],
                             preferred_element_type=jnp.float32) + b2_ref[:]


def _compute_tables(emb_pad, w1t, b1r, w2t, b2r):
    return pl.pallas_call(
        _tables_body,
        out_shape=jax.ShapeDtypeStruct((VP, 2 * H), jnp.float32),
    )(emb_pad, w1t, b1r, w2t, b2r)


def _onehot_body(ids_ref, t12_ref, y1_ref, y2_ref):
    ids = ids_ref[0, 0]
    oh = (ids.reshape(TBLK, 1)
          == lax.broadcasted_iota(jnp.int32, (TBLK, VP), 1))
    y12 = jnp.dot(oh.astype(jnp.float32), t12_ref[:],
                  preferred_element_type=jnp.float32)
    y1_ref[:] = y12[:, :H]
    y2_ref[:] = y12[:, H:]


def _tc_lookup(ids3, t12):
    nblk = BS // TBLK
    return pl.pallas_call(
        _onehot_body,
        grid=(nblk,),
        in_specs=[
            pl.BlockSpec((1, 1, TBLK), lambda i: (i, 0, 0)),
            pl.BlockSpec((VP, 2 * H), lambda i: (0, 0)),
        ],
        out_specs=[
            pl.BlockSpec((TBLK, H), lambda i: (i, 0)),
            pl.BlockSpec((TBLK, H), lambda i: (i, 0)),
        ],
        out_shape=[jax.ShapeDtypeStruct((BS, H), jnp.float32)] * 2,
    )(ids3, t12)


def _make_sc_gather(ns):
    tok_per_w = BS // ns
    nchunk = tok_per_w // CHUNK
    mesh = plsc.VectorSubcoreMesh(core_axis_name="c", subcore_axis_name="s",
                                  num_cores=1)

    @functools.partial(
        pl.kernel,
        out_type=jax.ShapeDtypeStruct((BS, H), jnp.float32),
        mesh=mesh,
        scratch_types=[
            pltpu.VMEM((nchunk, CHUNK), jnp.int32),
            pltpu.VMEM((NBUF, CHUNK, H), jnp.float32),
            pltpu.VMEM_SHARED((VP, H), jnp.float32),
            pltpu.SemaphoreType.DMA,
            pltpu.SemaphoreType.DMA,
        ],
    )
    def sc_gather(ids_hbm, t0, y0, idx_v, buf, tv0, gsem, wsem):
        wid = lax.axis_index("s")
        base = wid * tok_per_w
        pltpu.sync_copy(ids_hbm.at[pl.ds(wid * nchunk, nchunk)], idx_v)

        @pl.when(wid == 0)
        def _stage_table():
            pltpu.sync_copy(t0, tv0)

        plsc.subcore_barrier()

        def gather(i):
            return pltpu.async_copy(tv0.at[idx_v.at[i]], buf.at[i % NBUF],
                                    gsem)

        def write(i):
            return pltpu.async_copy(buf.at[i % NBUF],
                                    y0.at[pl.ds(base + i * CHUNK, CHUNK)],
                                    wsem)

        gds = [gather(i) for i in range(NBUF - 1)]
        wds = []
        for i in range(nchunk):
            if i + NBUF - 1 < nchunk:
                if i >= 1:
                    wds[i - 1].wait()
                gds.append(gather(i + NBUF - 1))
            elif i >= 1:
                wds[i - 1].wait()
            gds[i].wait()
            wds.append(write(i))
        wds[-1].wait()

    return sc_gather


def kernel(input_ids, emb, W1, b1, W2, b2):
    info = plsc.get_sparse_core_info()
    emb_pad = jnp.zeros((VP, H), jnp.float32).at[:V].set(emb)
    t12 = _compute_tables(emb_pad, W1.T, b1.reshape(1, H),
                          W2.T, b2.reshape(1, H))
    ids2 = input_ids.reshape(BS // CHUNK, CHUNK)
    ids3 = input_ids.reshape(BS // TBLK, 1, TBLK)
    sc_gather = _make_sc_gather(info.num_subcores)
    y0 = sc_gather(ids2, emb_pad)
    y1, y2 = _tc_lookup(ids3, t12)
    return (y0.reshape(B, S, H), y1.reshape(B, S, H), y2.reshape(B, S, H))

# --- scband reference (transcript-rebuilt; emitter-appended) ---
"""Pipeline reference for scband-mock-model-27462020890942 (READ-ONLY COPY).

The authoritative reference and input builder live on the scoring server;
editing this copy changes nothing except your own understanding.
"""

import jax, jax.numpy as jnp
import numpy as np

B, S, H, V = 4, 8192, 128, 100

def setup_inputs(seed: int = 0) -> dict:
    key = jax.random.key(seed)
    k1, k2, k3, k4, k5, k6 = jax.random.split(key, 6)
    input_ids = jax.random.randint(k1, (B, S), 0, V)
    emb = jax.random.normal(k2, (V, H), dtype=jnp.float32)
    s = 1.0 / np.sqrt(H)
    W1 = jax.random.uniform(k3, (H, H), minval=-s, maxval=s, dtype=jnp.float32)
    b1 = jax.random.uniform(k4, (H,), minval=-s, maxval=s, dtype=jnp.float32)
    W2 = jax.random.uniform(k5, (H, H), minval=-s, maxval=s, dtype=jnp.float32)
    b2 = jax.random.uniform(k6, (H,), minval=-s, maxval=s, dtype=jnp.float32)
    return {"input_ids": input_ids, "emb": emb, "W1": W1, "b1": b1, "W2": W2, "b2": b2}

def reference(input_ids, emb, W1, b1, W2, b2):
    # embedding lookup
    x = jnp.take(emb, input_ids, axis=0)  # [B, S, H]
    hidden_states = [x]
    # layer 1: torch nn.Linear computes x @ W.T + b
    x = x @ W1.T + b1
    hidden_states.append(x)
    # layer 2
    x = x @ W2.T + b2
    hidden_states.append(x)
    return tuple(hidden_states)

if __name__ == "__main__":
    import jax
    _d = setup_inputs()
    print(jax.jit(kernel)(*tuple(_d.values())))

</pallas_src>

<mosaic_0001>
#map = affine_map<(d0, d1) -> (0, 0)>
module attributes {stable_mosaic.version = 14 : i64} {
  func.func @sc_gather(%arg0: i32, %arg1: i32, %arg2: memref<256x128xi32, #tpu.memory_space<hbm>>, %arg3: memref<128x128xf32, #tpu.memory_space<hbm>>, %arg4: memref<32768x128xf32, #tpu.memory_space<hbm>>, %arg5: memref<16x128xi32, #tpu.memory_space<vmem>>, %arg6: memref<4x128x128xf32, #tpu.memory_space<vmem>>, %arg7: memref<128x128xf32, #tpu.memory_space<vmem_shared>>, %arg8: memref<!tpu.dma_semaphore, #tpu.memory_space<semaphore_mem>>, %arg9: memref<!tpu.dma_semaphore, #tpu.memory_space<semaphore_mem>>) attributes {dimension_semantics = [#tpu.dimension_semantics<core_parallel>, #tpu.dimension_semantics<subcore_parallel>], iteration_bounds = array<i64: 1, 16>, scalar_prefetch = 0 : i64, scratch_operands = 5 : i64, tpu.core_type = #tpu.core_type<sc_vector_subcore>, window_params = [{transform_indices = #map}, {transform_indices = #map}, {transform_indices = #map}]} {
    %mul3A = arith.constant 2048 : i32
    %mul3A_0 = arith.muli %arg1, %mul3A : i32
    %mul3A_1 = arith.constant 16 : i32
    %mul3A_2 = arith.muli %arg1, %mul3A_1 : i32
    "tpu.region"() ({
      %run_scoped3A = tpu.sem_alloc : memref<!tpu.dma_semaphore, #tpu.memory_space<semaphore_mem>>
      %dma_start3A_834 = arith.constant 0 : i32
      %dma_start3A_835 = tpu.memref_slice %arg2[%mul3A_2, %dma_start3A_834] : memref<256x128xi32, #tpu.memory_space<hbm>> -> memref<16x128xi32, #tpu.memory_space<hbm>>
      %dma_start3A_836 = arith.constant 0 : i32
      %dma_start3A_837 = tpu.memref_slice %arg2[%mul3A_2, %dma_start3A_836] : memref<256x128xi32, #tpu.memory_space<hbm>> -> memref<16x128xi32, #tpu.memory_space<hbm>>
      tpu.enqueue_dma source(%dma_start3A_837 : memref<16x128xi32, #tpu.memory_space<hbm>>) target(%arg5 : memref<16x128xi32, #tpu.memory_space<vmem>>) target_semaphore(%run_scoped3A : memref<!tpu.dma_semaphore, #tpu.memory_space<semaphore_mem>>)
      %dma_wait3A_838 = arith.constant 0 : i32
      %dma_wait3A_839 = tpu.memref_slice %arg2[%mul3A_2, %dma_wait3A_838] : memref<256x128xi32, #tpu.memory_space<hbm>> -> memref<16x128xi32, #tpu.memory_space<hbm>>
      %dma_wait3A_840 = arith.constant 0 : i32
      %dma_wait3A_841 = tpu.memref_slice %arg2[%mul3A_2, %dma_wait3A_840] : memref<256x128xi32, #tpu.memory_space<hbm>> -> memref<16x128xi32, #tpu.memory_space<hbm>>
      tpu.wait_dma2 semaphore(%run_scoped3A : memref<!tpu.dma_semaphore, #tpu.memory_space<semaphore_mem>>) src(%dma_wait3A_841 : memref<16x128xi32, #tpu.memory_space<hbm>>) dst(%arg5 : memref<16x128xi32, #tpu.memory_space<vmem>>)
      tpu.yield
    }) : () -> ()
    %eq3A = arith.constant 0 : i32
    %eq3A_3 = arith.cmpi eq, %arg1, %eq3A : i32
    %convert_element_type3A = arith.extui %eq3A_3 : i1 to i32
    %cond3A = arith.constant 0 : i32
    %cond3A_4 = arith.cmpi ne, %convert_element_type3A, %cond3A : i32
    scf.if %cond3A_4 {
      "tpu.region"() ({
        %run_scoped3A = tpu.sem_alloc : memref<!tpu.dma_semaphore, #tpu.memory_space<semaphore_mem>>
        tpu.enqueue_dma source(%arg3 : memref<128x128xf32, #tpu.memory_space<hbm>>) target(%arg7 : memref<128x128xf32, #tpu.memory_space<vmem_shared>>) target_semaphore(%run_scoped3A : memref<!tpu.dma_semaphore, #tpu.memory_space<semaphore_mem>>)
        tpu.wait_dma2 semaphore(%run_scoped3A : memref<!tpu.dma_semaphore, #tpu.memory_space<semaphore_mem>>) src(%arg3 : memref<128x128xf32, #tpu.memory_space<hbm>>) dst(%arg7 : memref<128x128xf32, #tpu.memory_space<vmem_shared>>)
        tpu.yield
      }) : () -> ()
    } else {
    }
    %barrier3A = arith.constant 0 : index
    tpu.barrier barrier_id(%barrier3A)
    %dma_start3A = arith.constant 0 : i32
    %dma_start3A_5 = arith.constant 0 : i32
    %dma_start3A_6 = arith.constant 0 : i32
    %dma_start3A_7 = arith.constant 0 : i32
    %dma_start3A_8 = tpu.memref_slice %arg6[%dma_start3A_5, %dma_start3A_6, %dma_start3A_7] : memref<4x128x128xf32, #tpu.memory_space<vmem>> -> memref<1x128x128xf32, #tpu.memory_space<vmem>>
    %dma_start3A_9 = tpu.memref_squeeze %dma_start3A_8 : memref<1x128x128xf32, #tpu.memory_space<vmem>> -> memref<128x128xf32, #tpu.memory_space<vmem>>
    %dma_start3A_10 = arith.constant 0 : i32
    %dma_start3A_11 = tpu.memref_slice %arg5[%dma_start3A, %dma_start3A_10] : memref<16x128xi32, #tpu.memory_space<vmem>> -> memref<1x128xi32, #tpu.memory_space<vmem>>
    %dma_start3A_12 = tpu.memref_squeeze %dma_start3A_11 : memref<1x128xi32, #tpu.memory_space<vmem>> -> memref<128xi32, #tpu.memory_space<vmem>>
    %dma_start3A_13 = arith.constant 0 : i32
    %dma_start3A_14 = arith.constant 0 : i32
    %dma_start3A_15 = tpu.memref_slice %arg7[%dma_start3A_13, %dma_start3A_14] : memref<128x128xf32, #tpu.memory_space<vmem_shared>> -> memref<128x128xf32, #tpu.memory_space<vmem_shared>>
    tpu.enqueue_indirect_dma source(%dma_start3A_15 : memref<128x128xf32, #tpu.memory_space<vmem_shared>>) target(%dma_start3A_9 : memref<128x128xf32, #tpu.memory_space<vmem>>) offsets(%dma_start3A_12 : memref<128xi32, #tpu.memory_space<vmem>>) semaphore(%arg8 : memref<!tpu.dma_semaphore, #tpu.memory_space<semaphore_mem>>)
    %dma_start3A_16 = arith.constant 1 : i32
    %dma_start3A_17 = arith.constant 1 : i32
    %dma_start3A_18 = arith.constant 0 : i32
    %dma_start3A_19 = arith.constant 0 : i32
    %dma_start3A_20 = tpu.memref_slice %arg6[%dma_start3A_17, %dma_start3A_18, %dma_start3A_19] : memref<4x128x128xf32, #tpu.memory_space<vmem>> -> memref<1x128x128xf32, #tpu.memory_space<vmem>>
    %dma_start3A_21 = tpu.memref_squeeze %dma_start3A_20 : memref<1x128x128xf32, #tpu.memory_space<vmem>> -> memref<128x128xf32, #tpu.memory_space<vmem>>
    %dma_start3A_22 = arith.constant 0 : i32
    %dma_start3A_23 = tpu.memref_slice %arg5[%dma_start3A_16, %dma_start3A_22] : memref<16x128xi32, #tpu.memory_space<vmem>> -> memref<1x128xi32, #tpu.memory_space<vmem>>
    %dma_start3A_24 = tpu.memref_squeeze %dma_start3A_23 : memref<1x128xi32, #tpu.memory_space<vmem>> -> memref<128xi32, #tpu.memory_space<vmem>>
    %dma_start3A_25 = arith.constant 0 : i32
    %dma_start3A_26 = arith.constant 0 : i32
    %dma_start3A_27 = tpu.memref_slice %arg7[%dma_start3A_25, %dma_start3A_26] : memref<128x128xf32, #tpu.memory_space<vmem_shared>> -> memref<128x128xf32, #tpu.memory_space<vmem_shared>>
    tpu.enqueue_indirect_dma source(%dma_start3A_27 : memref<128x128xf32, #tpu.memory_space<vmem_shared>>) target(%dma_start3A_21 : memref<128x128xf32, #tpu.memory_space<vmem>>) offsets(%dma_start3A_24 : memref<128xi32, #tpu.memory_space<vmem>>) semaphore(%arg8 : memref<!tpu.dma_semaphore, #tpu.memory_space<semaphore_mem>>)
    %dma_start3A_28 = arith.constant 2 : i32
    %dma_start3A_29 = arith.constant 2 : i32
    %dma_start3A_30 = arith.constant 0 : i32
    %dma_start3A_31 = arith.constant 0 : i32
    %dma_start3A_32 = tpu.memref_slice %arg6[%dma_start3A_29, %dma_start3A_30, %dma_start3A_31] : memref<4x128x128xf32, #tpu.memory_space<vmem>> -> memref<1x128x128xf32, #tpu.memory_space<vmem>>
    %dma_start3A_33 = tpu.memref_squeeze %dma_start3A_32 : memref<1x128x128xf32, #tpu.memory_space<vmem>> -> memref<128x128xf32, #tpu.memory_space<vmem>>
    %dma_start3A_34 = arith.constant 0 : i32
    %dma_start3A_35 = tpu.memref_slice %arg5[%dma_start3A_28, %dma_start3A_34] : memref<16x128xi32, #tpu.memory_space<vmem>> -> memref<1x128xi32, #tpu.memory_space<vmem>>
    %dma_start3A_36 = tpu.memref_squeeze %dma_start3A_35 : memref<1x128xi32, #tpu.memory_space<vmem>> -> memref<128xi32, #tpu.memory_space<vmem>>
    %dma_start3A_37 = arith.constant 0 : i32
    %dma_start3A_38 = arith.constant 0 : i32
    %dma_start3A_39 = tpu.memref_slice %arg7[%dma_start3A_37, %dma_start3A_38] : memref<128x128xf32, #tpu.memory_space<vmem_shared>> -> memref<128x128xf32, #tpu.memory_space<vmem_shared>>
    tpu.enqueue_indirect_dma source(%dma_start3A_39 : memref<128x128xf32, #tpu.memory_space<vmem_shared>>) target(%dma_start3A_33 : memref<128x128xf32, #tpu.memory_space<vmem>>) offsets(%dma_start3A_36 : memref<128xi32, #tpu.memory_space<vmem>>) semaphore(%arg8 : memref<!tpu.dma_semaphore, #tpu.memory_space<semaphore_mem>>)
    %dma_start3A_40 = arith.constant 3 : i32
    %dma_start3A_41 = arith.constant 3 : i32
    %dma_start3A_42 = arith.constant 0 : i32
    %dma_start3A_43 = arith.constant 0 : i32
    %dma_start3A_44 = tpu.memref_slice %arg6[%dma_start3A_41, %dma_start3A_42, %dma_start3A_43] : memref<4x128x128xf32, #tpu.memory_space<vmem>> -> memref<1x128x128xf32, #tpu.memory_space<vmem>>
    %dma_start3A_45 = tpu.memref_squeeze %dma_start3A_44 : memref<1x128x128xf32, #tpu.memory_space<vmem>> -> memref<128x128xf32, #tpu.memory_space<vmem>>
    %dma_start3A_46 = arith.constant 0 : i32
    %dma_start3A_47 = tpu.memref_slice %arg5[%dma_start3A_40, %dma_start3A_46] : memref<16x128xi32, #tpu.memory_space<vmem>> -> memref<1x128xi32, #tpu.memory_space<vmem>>
    %dma_start3A_48 = tpu.memref_squeeze %dma_start3A_47 : memref<1x128xi32, #tpu.memory_space<vmem>> -> memref<128xi32, #tpu.memory_space<vmem>>
    %dma_start3A_49 = arith.constant 0 : i32
    %dma_start3A_50 = arith.constant 0 : i32
    %dma_start3A_51 = tpu.memref_slice %arg7[%dma_start3A_49, %dma_start3A_50] : memref<128x128xf32, #tpu.memory_space<vmem_shared>> -> memref<128x128xf32, #tpu.memory_space<vmem_shared>>
    tpu.enqueue_indirect_dma source(%dma_start3A_51 : memref<128x128xf32, #tpu.memory_space<vmem_shared>>) target(%dma_start3A_45 : memref<128x128xf32, #tpu.memory_space<vmem>>) offsets(%dma_start3A_48 : memref<128xi32, #tpu.memory_space<vmem>>) semaphore(%arg8 : memref<!tpu.dma_semaphore, #tpu.memory_space<semaphore_mem>>)
    %dma_wait3A = arith.constant 0 : i32
    %dma_wait3A_52 = arith.constant 0 : i32
    %dma_wait3A_53 = arith.constant 0 : i32
    %dma_wait3A_54 = arith.constant 0 : i32
    %dma_wait3A_55 = tpu.memref_slice %arg6[%dma_wait3A_52, %dma_wait3A_53, %dma_wait3A_54] : memref<4x128x128xf32, #tpu.memory_space<vmem>> -> memref<1x128x128xf32, #tpu.memory_space<vmem>>
    %dma_wait3A_56 = tpu.memref_squeeze %dma_wait3A_55 : memref<1x128x128xf32, #tpu.memory_space<vmem>> -> memref<128x128xf32, #tpu.memory_space<vmem>>
    %dma_wait3A_57 = arith.constant 0 : i32
    %dma_wait3A_58 = tpu.memref_slice %arg5[%dma_wait3A, %dma_wait3A_57] : memref<16x128xi32, #tpu.memory_space<vmem>> -> memref<1x128xi32, #tpu.memory_space<vmem>>
    %dma_wait3A_59 = tpu.memref_squeeze %dma_wait3A_58 : memref<1x128xi32, #tpu.memory_space<vmem>> -> memref<128xi32, #tpu.memory_space<vmem>>
    %dma_wait3A_60 = arith.constant 0 : i32
    %dma_wait3A_61 = arith.constant 0 : i32
    %dma_wait3A_62 = tpu.memref_slice %arg7[%dma_wait3A_60, %dma_wait3A_61] : memref<128x128xf32, #tpu.memory_space<vmem_shared>> -> memref<128x128xf32, #tpu.memory_space<vmem_shared>>
    tpu.wait_indirect_dma semaphore(%arg8 : memref<!tpu.dma_semaphore, #tpu.memory_space<semaphore_mem>>) src(%dma_wait3A_62 : memref<128x128xf32, #tpu.memory_space<vmem_shared>>) dst(%dma_wait3A_56 : memref<128x128xf32, #tpu.memory_space<vmem>>)
    %add3A = arith.constant 0 : i32
    %add3A_63 = arith.addi %mul3A_0, %add3A : i32
    %dma_start3A_64 = arith.constant 0 : i32
    %dma_start3A_65 = arith.constant 0 : i32
    %dma_start3A_66 = arith.constant 0 : i32
    %dma_start3A_67 = tpu.memref_slice %arg6[%dma_start3A_64, %dma_start3A_65, %dma_start3A_66] : memref<4x128x128xf32, #tpu.memory_space<vmem>> -> memref<1x128x128xf32, #tpu.memory_space<vmem>>
    %dma_start3A_68 = tpu.memref_squeeze %dma_start3A_67 : memref<1x128x128xf32, #tpu.memory_space<vmem>> -> memref<128x128xf32, #tpu.memory_space<vmem>>
    %dma_start3A_69 = arith.constant 0 : i32
    %dma_start3A_70 = tpu.memref_slice %arg4[%add3A_63, %dma_start3A_69] : memref<32768x128xf32, #tpu.memory_space<hbm>> -> memref<128x128xf32, #tpu.memory_space<hbm>>
    %dma_start3A_71 = arith.constant 0 : i32
    %dma_start3A_72 = tpu.memref_slice %arg4[%add3A_63, %dma_start3A_71] : memref<32768x128xf32, #tpu.memory_space<hbm>> -> memref<128x128xf32, #tpu.memory_space<hbm>>
    %dma_start3A_73 = arith.constant 0 : i32
    %dma_start3A_74 = arith.constant 0 : i32
    %dma_start3A_75 = tpu.memref_slice %arg6[%dma_start3A_64, %dma_start3A_73, %dma_start3A_74] : memref<4x128x128xf32, #tpu.memory_space<vmem>> -> memref<1x128x128xf32, #tpu.memory_space<vmem>>
    %dma_start3A_76 = tpu.memref_squeeze %dma_start3A_75 : memref<1x128x128xf32, #tpu.memory_space<vmem>> -> memref<128x128xf32, #tpu.memory_space<vmem>>
    tpu.enqueue_dma source(%dma_start3A_76 : memref<128x128xf32, #tpu.memory_space<vmem>>) target(%dma_start3A_72 : memref<128x128xf32, #tpu.memory_space<hbm>>) target_semaphore(%arg9 : memref<!tpu.dma_semaphore, #tpu.memory_space<semaphore_mem>>)
    %dma_wait3A_77 = arith.constant 0 : i32
    %dma_wait3A_78 = arith.constant 0 : i32
    %dma_wait3A_79 = arith.constant 0 : i32
    %dma_wait3A_80 = tpu.memref_slice %arg6[%dma_wait3A_77, %dma_wait3A_78, %dma_wait3A_79] : memref<4x128x128xf32, #tpu.memory_space<vmem>> -> memref<1x128x128xf32, #tpu.memory_space<vmem>>
    %dma_wait3A_81 = tpu.memref_squeeze %dma_wait3A_80 : memref<1x128x128xf32, #tpu.memory_space<vmem>> -> memref<128x128xf32, #tpu.memory_space<vmem>>
    %dma_wait3A_82 = arith.constant 0 : i32
    %dma_wait3A_83 = tpu.memref_slice %arg4[%add3A_63, %dma_wait3A_82] : memref<32768x128xf32, #tpu.memory_space<hbm>> -> memref<128x128xf32, #tpu.memory_space<hbm>>
    %dma_wait3A_84 = arith.constant 0 : i32
    %dma_wait3A_85 = tpu.memref_slice %arg4[%add3A_63, %dma_wait3A_84] : memref<32768x128xf32, #tpu.memory_space<hbm>> -> memref<128x128xf32, #tpu.memory_space<hbm>>
    %dma_wait3A_86 = arith.constant 0 : i32
    %dma_wait3A_87 = arith.constant 0 : i32
    %dma_wait3A_88 = tpu.memref_slice %arg6[%dma_wait3A_77, %dma_wait3A_86, %dma_wait3A_87] : memref<4x128x128xf32, #tpu.memory_space<vmem>> -> memref<1x128x128xf32, #tpu.memory_space<vmem>>
    %dma_wait3A_89 = tpu.memref_squeeze %dma_wait3A_88 : memref<1x128x128xf32, #tpu.memory_space<vmem>> -> memref<128x128xf32, #tpu.memory_space<vmem>>
    tpu.wait_dma2 semaphore(%arg9 : memref<!tpu.dma_semaphore, #tpu.memory_space<semaphore_mem>>) src(%dma_wait3A_89 : memref<128x128xf32, #tpu.memory_space<vmem>>) dst(%dma_wait3A_85 : memref<128x128xf32, #tpu.memory_space<hbm>>)
    %dma_start3A_90 = arith.constant 4 : i32
    %dma_start3A_91 = arith.constant 0 : i32
    %dma_start3A_92 = arith.constant 0 : i32
    %dma_start3A_93 = arith.constant 0 : i32
    %dma_start3A_94 = tpu.memref_slice %arg6[%dma_start3A_91, %dma_start3A_92, %dma_start3A_93] : memref<4x128x128xf32, #tpu.memory_space<vmem>> -> memref<1x128x128xf32, #tpu.memory_space<vmem>>
    %dma_start3A_95 = tpu.memref_squeeze %dma_start3A_94 : memref<1x128x128xf32, #tpu.memory_space<vmem>> -> memref<128x128xf32, #tpu.memory_space<vmem>>
    %dma_start3A_96 = arith.constant 0 : i32
    %dma_start3A_97 = tpu.memref_slice %arg5[%dma_start3A_90, %dma_start3A_96] : memref<16x128xi32, #tpu.memory_space<vmem>> -> memref<1x128xi32, #tpu.memory_space<vmem>>
    %dma_start3A_98 = tpu.memref_squeeze %dma_start3A_97 : memref<1x128xi32, #tpu.memory_space<vmem>> -> memref<128xi32, #tpu.memory_space<vmem>>
    %dma_start3A_99 = arith.constant 0 : i32
    %dma_start3A_100 = arith.constant 0 : i32
    %dma_start3A_101 = tpu.memref_slice %arg7[%dma_start3A_99, %dma_start3A_100] : memref<128x128xf32, #tpu.memory_space<vmem_shared>> -> memref<128x128xf32, #tpu.memory_space<vmem_shared>>
    tpu.enqueue_indirect_dma source(%dma_start3A_101 : memref<128x128xf32, #tpu.memory_space<vmem_shared>>) target(%dma_start3A_95 : memref<128x128xf32, #tpu.memory_space<vmem>>) offsets(%dma_start3A_98 : memref<128xi32, #tpu.memory_space<vmem>>) semaphore(%arg8 : memref<!tpu.dma_semaphore, #tpu.memory_space<semaphore_mem>>)
    %dma_wait3A_102 = arith.constant 1 : i32
    %dma_wait3A_103 = arith.constant 1 : i32
    %dma_wait3A_104 = arith.constant 0 : i32
    %dma_wait3A_105 = arith.constant 0 : i32
    %dma_wait3A_106 = tpu.memref_slice %arg6[%dma_wait3A_103, %dma_wait3A_104, %dma_wait3A_105] : memref<4x128x128xf32, #tpu.memory_space<vmem>> -> memref<1x128x128xf32, #tpu.memory_space<vmem>>
    %dma_wait3A_107 = tpu.memref_squeeze %dma_wait3A_106 : memref<1x128x128xf32, #tpu.memory_space<vmem>> -> memref<128x128xf32, #tpu.memory_space<vmem>>
    %dma_wait3A_108 = arith.constant 0 : i32
    %dma_wait3A_109 = tpu.memref_slice %arg5[%dma_wait3A_102, %dma_wait3A_108] : memref<16x128xi32, #tpu.memory_space<vmem>> -> memref<1x128xi32, #tpu.memory_space<vmem>>
    %dma_wait3A_110 = tpu.memref_squeeze %dma_wait3A_109 : memref<1x128xi32, #tpu.memory_space<vmem>> -> memref<128xi32, #tpu.memory_space<vmem>>
    %dma_wait3A_111 = arith.constant 0 : i32
    %dma_wait3A_112 = arith.constant 0 : i32
    %dma_wait3A_113 = tpu.memref_slice %arg7[%dma_wait3A_111, %dma_wait3A_112] : memref<128x128xf32, #tpu.memory_space<vmem_shared>> -> memref<128x128xf32, #tpu.memory_space<vmem_shared>>
    tpu.wait_indirect_dma semaphore(%arg8 : memref<!tpu.dma_semaphore, #tpu.memory_space<semaphore_mem>>) src(%dma_wait3A_113 : memref<128x128xf32, #tpu.memory_space<vmem_shared>>) dst(%dma_wait3A_107 : memref<128x128xf32, #tpu.memory_space<vmem>>)
    %add3A_114 = arith.constant 128 : i32
    %add3A_115 = arith.addi %mul3A_0, %add3A_114 : i32
    %dma_start3A_116 = arith.constant 1 : i32
    %dma_start3A_117 = arith.constant 0 : i32
    %dma_start3A_118 = arith.constant 0 : i32
    %dma_start3A_119 = tpu.memref_slice %arg6[%dma_start3A_116, %dma_start3A_117, %dma_start3A_118] : memref<4x128x128xf32, #tpu.memory_space<vmem>> -> memref<1x128x128xf32, #tpu.memory_space<vmem>>
    %dma_start3A_120 = tpu.memref_squeeze %dma_start3A_119 : memref<1x128x128xf32, #tpu.memory_space<vmem>> -> memref<128x128xf32, #tpu.memory_space<vmem>>
    %dma_start3A_121 = arith.constant 0 : i32
    %dma_start3A_122 = tpu.memref_slice %arg4[%add3A_115, %dma_start3A_121] : memref<32768x128xf32, #tpu.memory_space<hbm>> -> memref<128x128xf32, #tpu.memory_space<hbm>>
    %dma_start3A_123 = arith.constant 0 : i32
    %dma_start3A_124 = tpu.memref_slice %arg4[%add3A_115, %dma_start3A_123] : memref<32768x128xf32, #tpu.memory_space<hbm>> -> memref<128x128xf32, #tpu.memory_space<hbm>>
    %dma_start3A_125 = arith.constant 0 : i32
    %dma_start3A_126 = arith.constant 0 : i32
    %dma_start3A_127 = tpu.memref_slice %arg6[%dma_start3A_116, %dma_start3A_125, %dma_start3A_126] : memref<4x128x128xf32, #tpu.memory_space<vmem>> -> memref<1x128x128xf32, #tpu.memory_space<vmem>>
    %dma_start3A_128 = tpu.memref_squeeze %dma_start3A_127 : memref<1x128x128xf32, #tpu.memory_space<vmem>> -> memref<128x128xf32, #tpu.memory_space<vmem>>
    tpu.enqueue_dma source(%dma_start3A_128 : memref<128x128xf32, #tpu.memory_space<vmem>>) target(%dma_start3A_124 : memref<128x128xf32, #tpu.memory_space<hbm>>) target_semaphore(%arg9 : memref<!tpu.dma_semaphore, #tpu.memory_space<semaphore_mem>>)
    %dma_wait3A_129 = arith.constant 1 : i32
    %dma_wait3A_130 = arith.constant 0 : i32
    %dma_wait3A_131 = arith.constant 0 : i32
    %dma_wait3A_132 = tpu.memref_slice %arg6[%dma_wait3A_129, %dma_wait3A_130, %dma_wait3A_131] : memref<4x128x128xf32, #tpu.memory_space<vmem>> -> memref<1x128x128xf32, #tpu.memory_space<vmem>>
    %dma_wait3A_133 = tpu.memref_squeeze %dma_wait3A_132 : memref<1x128x128xf32, #tpu.memory_space<vmem>> -> memref<128x128xf32, #tpu.memory_space<vmem>>
    %dma_wait3A_134 = arith.constant 0 : i32
    %dma_wait3A_135 = tpu.memref_slice %arg4[%add3A_115, %dma_wait3A_134] : memref<32768x128xf32, #tpu.memory_space<hbm>> -> memref<128x128xf32, #tpu.memory_space<hbm>>
    %dma_wait3A_136 = arith.constant 0 : i32
    %dma_wait3A_137 = tpu.memref_slice %arg4[%add3A_115, %dma_wait3A_136] : memref<32768x128xf32, #tpu.memory_space<hbm>> -> memref<128x128xf32, #tpu.memory_space<hbm>>
    %dma_wait3A_138 = arith.constant 0 : i32
    %dma_wait3A_139 = arith.constant 0 : i32
    %dma_wait3A_140 = tpu.memref_slice %arg6[%dma_wait3A_129, %dma_wait3A_138, %dma_wait3A_139] : memref<4x128x128xf32, #tpu.memory_space<vmem>> -> memref<1x128x128xf32, #tpu.memory_space<vmem>>
    %dma_wait3A_141 = tpu.memref_squeeze %dma_wait3A_140 : memref<1x128x128xf32, #tpu.memory_space<vmem>> -> memref<128x128xf32, #tpu.memory_space<vmem>>
    tpu.wait_dma2 semaphore(%arg9 : memref<!tpu.dma_semaphore, #tpu.memory_space<semaphore_mem>>) src(%dma_wait3A_141 : memref<128x128xf32, #tpu.memory_space<vmem>>) dst(%dma_wait3A_137 : memref<128x128xf32, #tpu.memory_space<hbm>>)
    %dma_start3A_142 = arith.constant 5 : i32
    %dma_start3A_143 = arith.constant 1 : i32
    %dma_start3A_144 = arith.constant 0 : i32
    %dma_start3A_145 = arith.constant 0 : i32
    %dma_start3A_146 = tpu.memref_slice %arg6[%dma_start3A_143, %dma_start3A_144, %dma_start3A_145] : memref<4x128x128xf32, #tpu.memory_space<vmem>> -> memref<1x128x128xf32, #tpu.memory_space<vmem>>
    %dma_start3A_147 = tpu.memref_squeeze %dma_start3A_146 : memref<1x128x128xf32, #tpu.memory_space<vmem>> -> memref<128x128xf32, #tpu.memory_space<vmem>>
    %dma_start3A_148 = arith.constant 0 : i32
    %dma_start3A_149 = tpu.memref_slice %arg5[%dma_start3A_142, %dma_start3A_148] : memref<16x128xi32, #tpu.memory_space<vmem>> -> memref<1x128xi32, #tpu.memory_space<vmem>>
    %dma_start3A_150 = tpu.memref_squeeze %dma_start3A_149 : memref<1x128xi32, #tpu.memory_space<vmem>> -> memref<128xi32, #tpu.memory_space<vmem>>
    %dma_start3A_151 = arith.constant 0 : i32
    %dma_start3A_152 = arith.constant 0 : i32
    %dma_start3A_153 = tpu.memref_slice %arg7[%dma_start3A_151, %dma_start3A_152] : memref<128x128xf32, #tpu.memory_space<vmem_shared>> -> memref<128x128xf32, #tpu.memory_space<vmem_shared>>
    tpu.enqueue_indirect_dma source(%dma_start3A_153 : memref<128x128xf32, #tpu.memory_space<vmem_shared>>) target(%dma_start3A_147 : memref<128x128xf32, #tpu.memory_space<vmem>>) offsets(%dma_start3A_150 : memref<128xi32, #tpu.memory_space<vmem>>) semaphore(%arg8 : memref<!tpu.dma_semaphore, #tpu.memory_space<semaphore_mem>>)
    %dma_wait3A_154 = arith.constant 2 : i32
    %dma_wait3A_155 = arith.constant 2 : i32
    %dma_wait3A_156 = arith.constant 0 : i32
    %dma_wait3A_157 = arith.constant 0 : i32
    %dma_wait3A_158 = tpu.memref_slice %arg6[%dma_wait3A_155, %dma_wait3A_156, %dma_wait3A_157] : memref<4x128x128xf32, #tpu.memory_space<vmem>> -> memref<1x128x128xf32, #tpu.memory_space<vmem>>
    %dma_wait3A_159 = tpu.memref_squeeze %dma_wait3A_158 : memref<1x128x128xf32, #tpu.memory_space<vmem>> -> memref<128x128xf32, #tpu.memory_space<vmem>>
    %dma_wait3A_160 = arith.constant 0 : i32
    %dma_wait3A_161 = tpu.memref_slice %arg5[%dma_wait3A_154, %dma_wait3A_160] : memref<16x128xi32, #tpu.memory_space<vmem>> -> memref<1x128xi32, #tpu.memory_space<vmem>>
    %dma_wait3A_162 = tpu.memref_squeeze %dma_wait3A_161 : memref<1x128xi32, #tpu.memory_space<vmem>> -> memref<128xi32, #tpu.memory_space<vmem>>
    %dma_wait3A_163 = arith.constant 0 : i32
    %dma_wait3A_164 = arith.constant 0 : i32
    %dma_wait3A_165 = tpu.memref_slice %arg7[%dma_wait3A_163, %dma_wait3A_164] : memref<128x128xf32, #tpu.memory_space<vmem_shared>> -> memref<128x128xf32, #tpu.memory_space<vmem_shared>>
    tpu.wait_indirect_dma semaphore(%arg8 : memref<!tpu.dma_semaphore, #tpu.memory_space<semaphore_mem>>) src(%dma_wait3A_165 : memref<128x128xf32, #tpu.memory_space<vmem_shared>>) dst(%dma_wait3A_159 : memref<128x128xf32, #tpu.memory_space<vmem>>)
    %add3A_166 = arith.constant 256 : i32
    %add3A_167 = arith.addi %mul3A_0, %add3A_166 : i32
    %dma_start3A_168 = arith.constant 2 : i32
    %dma_start3A_169 = arith.constant 0 : i32
    %dma_start3A_170 = arith.constant 0 : i32
    %dma_start3A_171 = tpu.memref_slice %arg6[%dma_start3A_168, %dma_start3A_169, %dma_start3A_170] : memref<4x128x128xf32, #tpu.memory_space<vmem>> -> memref<1x128x128xf32, #tpu.memory_space<vmem>>
    %dma_start3A_172 = tpu.memref_squeeze %dma_start3A_171 : memref<1x128x128xf32, #tpu.memory_space<vmem>> -> memref<128x128xf32, #tpu.memory_space<vmem>>
    %dma_start3A_173 = arith.constant 0 : i32
    %dma_start3A_174 = tpu.memref_slice %arg4[%add3A_167, %dma_start3A_173] : memref<32768x128xf32, #tpu.memory_space<hbm>> -> memref<128x128xf32, #tpu.memory_space<hbm>>
    %dma_start3A_175 = arith.constant 0 : i32
    %dma_start3A_176 = tpu.memref_slice %arg4[%add3A_167, %dma_start3A_175] : memref<32768x128xf32, #tpu.memory_space<hbm>> -> memref<128x128xf32, #tpu.memory_space<hbm>>
    %dma_start3A_177 = arith.constant 0 : i32
    %dma_start3A_178 = arith.constant 0 : i32
    %dma_start3A_179 = tpu.memref_slice %arg6[%dma_start3A_168, %dma_start3A_177, %dma_start3A_178] : memref<4x128x128xf32, #tpu.memory_space<vmem>> -> memref<1x128x128xf32, #tpu.memory_space<vmem>>
    %dma_start3A_180 = tpu.memref_squeeze %dma_start3A_179 : memref<1x128x128xf32, #tpu.memory_space<vmem>> -> memref<128x128xf32, #tpu.memory_space<vmem>>
    tpu.enqueue_dma source(%dma_start3A_180 : memref<128x128xf32, #tpu.memory_space<vmem>>) target(%dma_start3A_176 : memref<128x128xf32, #tpu.memory_space<hbm>>) target_semaphore(%arg9 : memref<!tpu.dma_semaphore, #tpu.memory_space<semaphore_mem>>)
    %dma_wait3A_181 = arith.constant 2 : i32
    %dma_wait3A_182 = arith.constant 0 : i32
    %dma_wait3A_183 = arith.constant 0 : i32
    %dma_wait3A_184 = tpu.memref_slice %arg6[%dma_wait3A_181, %dma_wait3A_182, %dma_wait3A_183] : memref<4x128x128xf32, #tpu.memory_space<vmem>> -> memref<1x128x128xf32, #tpu.memory_space<vmem>>
    %dma_wait3A_185 = tpu.memref_squeeze %dma_wait3A_184 : memref<1x128x128xf32, #tpu.memory_space<vmem>> -> memref<128x128xf32, #tpu.memory_space<vmem>>
    %dma_wait3A_186 = arith.constant 0 : i32
    %dma_wait3A_187 = tpu.memref_slice %arg4[%add3A_167, %dma_wait3A_186] : memref<32768x128xf32, #tpu.memory_space<hbm>> -> memref<128x128xf32, #tpu.memory_space<hbm>>
    %dma_wait3A_188 = arith.constant 0 : i32
    %dma_wait3A_189 = tpu.memref_slice %arg4[%add3A_167, %dma_wait3A_188] : memref<32768x128xf32, #tpu.memory_space<hbm>> -> memref<128x128xf32, #tpu.memory_space<hbm>>
    %dma_wait3A_190 = arith.constant 0 : i32
    %dma_wait3A_191 = arith.constant 0 : i32
    %dma_wait3A_192 = tpu.memref_slice %arg6[%dma_wait3A_181, %dma_wait3A_190, %dma_wait3A_191] : memref<4x128x128xf32, #tpu.memory_space<vmem>> -> memref<1x128x128xf32, #tpu.memory_space<vmem>>
    %dma_wait3A_193 = tpu.memref_squeeze %dma_wait3A_192 : memref<1x128x128xf32, #tpu.memory_space<vmem>> -> memref<128x128xf32, #tpu.memory_space<vmem>>
    tpu.wait_dma2 semaphore(%arg9 : memref<!tpu.dma_semaphore, #tpu.memory_space<semaphore_mem>>) src(%dma_wait3A_193 : memref<128x128xf32, #tpu.memory_space<vmem>>) dst(%dma_wait3A_189 : memref<128x128xf32, #tpu.memory_space<hbm>>)
    %dma_start3A_194 = arith.constant 6 : i32
    %dma_start3A_195 = arith.constant 2 : i32
    %dma_start3A_196 = arith.constant 0 : i32
    %dma_start3A_197 = arith.constant 0 : i32
    %dma_start3A_198 = tpu.memref_slice %arg6[%dma_start3A_195, %dma_start3A_196, %dma_start3A_197] : memref<4x128x128xf32, #tpu.memory_space<vmem>> -> memref<1x128x128xf32, #tpu.memory_space<vmem>>
    %dma_start3A_199 = tpu.memref_squeeze %dma_start3A_198 : memref<1x128x128xf32, #tpu.memory_space<vmem>> -> memref<128x128xf32, #tpu.memory_space<vmem>>
    %dma_start3A_200 = arith.constant 0 : i32
    %dma_start3A_201 = tpu.memref_slice %arg5[%dma_start3A_194, %dma_start3A_200] : memref<16x128xi32, #tpu.memory_space<vmem>> -> memref<1x128xi32, #tpu.memory_space<vmem>>
    %dma_start3A_202 = tpu.memref_squeeze %dma_start3A_201 : memref<1x128xi32, #tpu.memory_space<vmem>> -> memref<128xi32, #tpu.memory_space<vmem>>
    %dma_start3A_203 = arith.constant 0 : i32
    %dma_start3A_204 = arith.constant 0 : i32
    %dma_start3A_205 = tpu.memref_slice %arg7[%dma_start3A_203, %dma_start3A_204] : memref<128x128xf32, #tpu.memory_space<vmem_shared>> -> memref<128x128xf32, #tpu.memory_space<vmem_shared>>
    tpu.enqueue_indirect_dma source(%dma_start3A_205 : memref<128x128xf32, #tpu.memory_space<vmem_shared>>) target(%dma_start3A_199 : memref<128x128xf32, #tpu.memory_space<vmem>>) offsets(%dma_start3A_202 : memref<128xi32, #tpu.memory_space<vmem>>) semaphore(%arg8 : memref<!tpu.dma_semaphore, #tpu.memory_space<semaphore_mem>>)
    %dma_wait3A_206 = arith.constant 3 : i32
    %dma_wait3A_207 = arith.constant 3 : i32
    %dma_wait3A_208 = arith.constant 0 : i32
    %dma_wait3A_209 = arith.constant 0 : i32
    %dma_wait3A_210 = tpu.memref_slice %arg6[%dma_wait3A_207, %dma_wait3A_208, %dma_wait3A_209] : memref<4x128x128xf32, #tpu.memory_space<vmem>> -> memref<1x128x128xf32, #tpu.memory_space<vmem>>
    %dma_wait3A_211 = tpu.memref_squeeze %dma_wait3A_210 : memref<1x128x128xf32, #tpu.memory_space<vmem>> -> memref<128x128xf32, #tpu.memory_space<vmem>>
    %dma_wait3A_212 = arith.constant 0 : i32
    %dma_wait3A_213 = tpu.memref_slice %arg5[%dma_wait3A_206, %dma_wait3A_212] : memref<16x128xi32, #tpu.memory_space<vmem>> -> memref<1x128xi32, #tpu.memory_space<vmem>>
    %dma_wait3A_214 = tpu.memref_squeeze %dma_wait3A_213 : memref<1x128xi32, #tpu.memory_space<vmem>> -> memref<128xi32, #tpu.memory_space<vmem>>
    %dma_wait3A_215 = arith.constant 0 : i32
    %dma_wait3A_216 = arith.constant 0 : i32
    %dma_wait3A_217 = tpu.memref_slice %arg7[%dma_wait3A_215, %dma_wait3A_216] : memref<128x128xf32, #tpu.memory_space<vmem_shared>> -> memref<128x128xf32, #tpu.memory_space<vmem_shared>>
    tpu.wait_indirect_dma semaphore(%arg8 : memref<!tpu.dma_semaphore, #tpu.memory_space<semaphore_mem>>) src(%dma_wait3A_217 : memref<128x128xf32, #tpu.memory_space<vmem_shared>>) dst(%dma_wait3A_211 : memref<128x128xf32, #tpu.memory_space<vmem>>)
    %add3A_218 = arith.constant 384 : i32
    %add3A_219 = arith.addi %mul3A_0, %add3A_218 : i32
    %dma_start3A_220 = arith.constant 3 : i32
    %dma_start3A_221 = arith.constant 0 : i32
    %dma_start3A_222 = arith.constant 0 : i32
    %dma_start3A_223 = tpu.memref_slice %arg6[%dma_start3A_220, %dma_start3A_221, %dma_start3A_222] : memref<4x128x128xf32, #tpu.memory_space<vmem>> -> memref<1x128x128xf32, #tpu.memory_space<vmem>>
    %dma_start3A_224 = tpu.memref_squeeze %dma_start3A_223 : memref<1x128x128xf32, #tpu.memory_space<vmem>> -> memref<128x128xf32, #tpu.memory_space<vmem>>
    %dma_start3A_225 = arith.constant 0 : i32
    %dma_start3A_226 = tpu.memref_slice %arg4[%add3A_219, %dma_start3A_225] : memref<32768x128xf32, #tpu.memory_space<hbm>> -> memref<128x128xf32, #tpu.memory_space<hbm>>
    %dma_start3A_227 = arith.constant 0 : i32
    %dma_start3A_228 = tpu.memref_slice %arg4[%add3A_219, %dma_start3A_227] : memref<32768x128xf32, #tpu.memory_space<hbm>> -> memref<128x128xf32, #tpu.memory_space<hbm>>
    %dma_start3A_229 = arith.constant 0 : i32
    %dma_start3A_230 = arith.constant 0 : i32
    %dma_start3A_231 = tpu.memref_slice %arg6[%dma_start3A_220, %dma_start3A_229, %dma_start3A_230] : memref<4x128x128xf32, #tpu.memory_space<vmem>> -> memref<1x128x128xf32, #tpu.memory_space<vmem>>
    %dma_start3A_232 = tpu.memref_squeeze %dma_start3A_231 : memref<1x128x128xf32, #tpu.memory_space<vmem>> -> memref<128x128xf32, #tpu.memory_space<vmem>>
    tpu.enqueue_dma source(%dma_start3A_232 : memref<128x128xf32, #tpu.memory_space<vmem>>) target(%dma_start3A_228 : memref<128x128xf32, #tpu.memory_space<hbm>>) target_semaphore(%arg9 : memref<!tpu.dma_semaphore, #tpu.memory_space<semaphore_mem>>)
    %dma_wait3A_233 = arith.constant 3 : i32
    %dma_wait3A_234 = arith.constant 0 : i32
    %dma_wait3A_235 = arith.constant 0 : i32
    %dma_wait3A_236 = tpu.memref_slice %arg6[%dma_wait3A_233, %dma_wait3A_234, %dma_wait3A_235] : memref<4x128x128xf32, #tpu.memory_space<vmem>> -> memref<1x128x128xf32, #tpu.memory_space<vmem>>
    %dma_wait3A_237 = tpu.memref_squeeze %dma_wait3A_236 : memref<1x128x128xf32, #tpu.memory_space<vmem>> -> memref<128x128xf32, #tpu.memory_space<vmem>>
    %dma_wait3A_238 = arith.constant 0 : i32
    %dma_wait3A_239 = tpu.memref_slice %arg4[%add3A_219, %dma_wait3A_238] : memref<32768x128xf32, #tpu.memory_space<hbm>> -> memref<128x128xf32, #tpu.memory_space<hbm>>
    %dma_wait3A_240 = arith.constant 0 : i32
    %dma_wait3A_241 = tpu.memref_slice %arg4[%add3A_219, %dma_wait3A_240] : memref<32768x128xf32, #tpu.memory_space<hbm>> -> memref<128x128xf32, #tpu.memory_space<hbm>>
    %dma_wait3A_242 = arith.constant 0 : i32
    %dma_wait3A_243 = arith.constant 0 : i32
    %dma_wait3A_244 = tpu.memref_slice %arg6[%dma_wait3A_233, %dma_wait3A_242, %dma_wait3A_243] : memref<4x128x128xf32, #tpu.memory_space<vmem>> -> memref<1x128x128xf32, #tpu.memory_space<vmem>>
    %dma_wait3A_245 = tpu.memref_squeeze %dma_wait3A_244 : memref<1x128x128xf32, #tpu.memory_space<vmem>> -> memref<128x128xf32, #tpu.memory_space<vmem>>
    tpu.wait_dma2 semaphore(%arg9 : memref<!tpu.dma_semaphore, #tpu.memory_space<semaphore_mem>>) src(%dma_wait3A_245 : memref<128x128xf32, #tpu.memory_space<vmem>>) dst(%dma_wait3A_241 : memref<128x128xf32, #tpu.memory_space<hbm>>)
    %dma_start3A_246 = arith.constant 7 : i32
    %dma_start3A_247 = arith.constant 3 : i32
    %dma_start3A_248 = arith.constant 0 : i32
    %dma_start3A_249 = arith.constant 0 : i32
    %dma_start3A_250 = tpu.memref_slice %arg6[%dma_start3A_247, %dma_start3A_248, %dma_start3A_249] : memref<4x128x128xf32, #tpu.memory_space<vmem>> -> memref<1x128x128xf32, #tpu.memory_space<vmem>>
    %dma_start3A_251 = tpu.memref_squeeze %dma_start3A_250 : memref<1x128x128xf32, #tpu.memory_space<vmem>> -> memref<128x128xf32, #tpu.memory_space<vmem>>
    %dma_start3A_252 = arith.constant 0 : i32
    %dma_start3A_253 = tpu.memref_slice %arg5[%dma_start3A_246, %dma_start3A_252] : memref<16x128xi32, #tpu.memory_space<vmem>> -> memref<1x128xi32, #tpu.memory_space<vmem>>
    %dma_start3A_254 = tpu.memref_squeeze %dma_start3A_253 : memref<1x128xi32, #tpu.memory_space<vmem>> -> memref<128xi32, #tpu.memory_space<vmem>>
    %dma_start3A_255 = arith.constant 0 : i32
    %dma_start3A_256 = arith.constant 0 : i32
    %dma_start3A_257 = tpu.memref_slice %arg7[%dma_start3A_255, %dma_start3A_256] : memref<128x128xf32, #tpu.memory_space<vmem_shared>> -> memref<128x128xf32, #tpu.memory_space<vmem_shared>>
    tpu.enqueue_indirect_dma source(%dma_start3A_257 : memref<128x128xf32, #tpu.memory_space<vmem_shared>>) target(%dma_start3A_251 : memref<128x128xf32, #tpu.memory_space<vmem>>) offsets(%dma_start3A_254 : memref<128xi32, #tpu.memory_space<vmem>>) semaphore(%arg8 : memref<!tpu.dma_semaphore, #tpu.memory_space<semaphore_mem>>)
    %dma_wait3A_258 = arith.constant 4 : i32
    %dma_wait3A_259 = arith.constant 0 : i32
    %dma_wait3A_260 = arith.constant 0 : i32
    %dma_wait3A_261 = arith.constant 0 : i32
    %dma_wait3A_262 = tpu.memref_slice %arg6[%dma_wait3A_259, %dma_wait3A_260, %dma_wait3A_261] : memref<4x128x128xf32, #tpu.memory_space<vmem>> -> memref<1x128x128xf32, #tpu.memory_space<vmem>>
    %dma_wait3A_263 = tpu.memref_squeeze %dma_wait3A_262 : memref<1x128x128xf32, #tpu.memory_space<vmem>> -> memref<128x128xf32, #tpu.memory_space<vmem>>
    %dma_wait3A_264 = arith.constant 0 : i32
    %dma_wait3A_265 = tpu.memref_slice %arg5[%dma_wait3A_258, %dma_wait3A_264] : memref<16x128xi32, #tpu.memory_space<vmem>> -> memref<1x128xi32, #tpu.memory_space<vmem>>
    %dma_wait3A_266 = tpu.memref_squeeze %dma_wait3A_265 : memref<1x128xi32, #tpu.memory_space<vmem>> -> memref<128xi32, #tpu.memory_space<vmem>>
    %dma_wait3A_267 = arith.constant 0 : i32
    %dma_wait3A_268 = arith.constant 0 : i32
    %dma_wait3A_269 = tpu.memref_slice %arg7[%dma_wait3A_267, %dma_wait3A_268] : memref<128x128xf32, #tpu.memory_space<vmem_shared>> -> memref<128x128xf32, #tpu.memory_space<vmem_shared>>
    tpu.wait_indirect_dma semaphore(%arg8 : memref<!tpu.dma_semaphore, #tpu.memory_space<semaphore_mem>>) src(%dma_wait3A_269 : memref<128x128xf32, #tpu.memory_space<vmem_shared>>) dst(%dma_wait3A_263 : memref<128x128xf32, #tpu.memory_space<vmem>>)
    %add3A_270 = arith.constant 512 : i32
    %add3A_271 = arith.addi %mul3A_0, %add3A_270 : i32
    %dma_start3A_272 = arith.constant 0 : i32
    %dma_start3A_273 = arith.constant 0 : i32
    %dma_start3A_274 = arith.constant 0 : i32
    %dma_start3A_275 = tpu.memref_slice %arg6[%dma_start3A_272, %dma_start3A_273, %dma_start3A_274] : memref<4x128x128xf32, #tpu.memory_space<vmem>> -> memref<1x128x128xf32, #tpu.memory_space<vmem>>
    %dma_start3A_276 = tpu.memref_squeeze %dma_start3A_275 : memref<1x128x128xf32, #tpu.memory_space<vmem>> -> memref<128x128xf32, #tpu.memory_space<vmem>>
    %dma_start3A_277 = arith.constant 0 : i32
    %dma_start3A_278 = tpu.memref_slice %arg4[%add3A_271, %dma_start3A_277] : memref<32768x128xf32, #tpu.memory_space<hbm>> -> memref<128x128xf32, #tpu.memory_space<hbm>>
    %dma_start3A_279 = arith.constant 0 : i32
    %dma_start3A_280 = tpu.memref_slice %arg4[%add3A_271, %dma_start3A_279] : memref<32768x128xf32, #tpu.memory_space<hbm>> -> memref<128x128xf32, #tpu.memory_space<hbm>>
    %dma_start3A_281 = arith.constant 0 : i32
    %dma_start3A_282 = arith.constant 0 : i32
    %dma_start3A_283 = tpu.memref_slice %arg6[%dma_start3A_272, %dma_start3A_281, %dma_start3A_282] : memref<4x128x128xf32, #tpu.memory_space<vmem>> -> memref<1x128x128xf32, #tpu.memory_space<vmem>>
    %dma_start3A_284 = tpu.memref_squeeze %dma_start3A_283 : memref<1x128x128xf32, #tpu.memory_space<vmem>> -> memref<128x128xf32, #tpu.memory_space<vmem>>
    tpu.enqueue_dma source(%dma_start3A_284 : memref<128x128xf32, #tpu.memory_space<vmem>>) target(%dma_start3A_280 : memref<128x128xf32, #tpu.memory_space<hbm>>) target_semaphore(%arg9 : memref<!tpu.dma_semaphore, #tpu.memory_space<semaphore_mem>>)
    %dma_wait3A_285 = arith.constant 0 : i32
    %dma_wait3A_286 = arith.constant 0 : i32
    %dma_wait3A_287 = arith.constant 0 : i32
    %dma_wait3A_288 = tpu.memref_slice %arg6[%dma_wait3A_285, %dma_wait3A_286, %dma_wait3A_287] : memref<4x128x128xf32, #tpu.memory_space<vmem>> -> memref<1x128x128xf32, #tpu.memory_space<vmem>>
    %dma_wait3A_289 = tpu.memref_squeeze %dma_wait3A_288 : memref<1x128x128xf32, #tpu.memory_space<vmem>> -> memref<128x128xf32, #tpu.memory_space<vmem>>
    %dma_wait3A_290 = arith.constant 0 : i32
    %dma_wait3A_291 = tpu.memref_slice %arg4[%add3A_271, %dma_wait3A_290] : memref<32768x128xf32, #tpu.memory_space<hbm>> -> memref<128x128xf32, #tpu.memory_space<hbm>>
    %dma_wait3A_292 = arith.constant 0 : i32
    %dma_wait3A_293 = tpu.memref_slice %arg4[%add3A_271, %dma_wait3A_292] : memref<32768x128xf32, #tpu.memory_space<hbm>> -> memref<128x128xf32, #tpu.memory_space<hbm>>
    %dma_wait3A_294 = arith.constant 0 : i32
    %dma_wait3A_295 = arith.constant 0 : i32
    %dma_wait3A_296 = tpu.memref_slice %arg6[%dma_wait3A_285, %dma_wait3A_294, %dma_wait3A_295] : memref<4x128x128xf32, #tpu.memory_space<vmem>> -> memref<1x128x128xf32, #tpu.memory_space<vmem>>
    %dma_wait3A_297 = tpu.memref_squeeze %dma_wait3A_296 : memref<1x128x128xf32, #tpu.memory_space<vmem>> -> memref<128x128xf32, #tpu.memory_space<vmem>>
    tpu.wait_dma2 semaphore(%arg9 : memref<!tpu.dma_semaphore, #tpu.memory_space<semaphore_mem>>) src(%dma_wait3A_297 : memref<128x128xf32, #tpu.memory_space<vmem>>) dst(%dma_wait3A_293 : memref<128x128xf32, #tpu.memory_space<hbm>>)
    %dma_start3A_298 = arith.constant 8 : i32
    %dma_start3A_299 = arith.constant 0 : i32
    %dma_start3A_300 = arith.constant 0 : i32
    %dma_start3A_301 = arith.constant 0 : i32
    %dma_start3A_302 = tpu.memref_slice %arg6[%dma_start3A_299, %dma_start3A_300, %dma_start3A_301] : memref<4x128x128xf32, #tpu.memory_space<vmem>> -> memref<1x128x128xf32, #tpu.memory_space<vmem>>
    %dma_start3A_303 = tpu.memref_squeeze %dma_start3A_302 : memref<1x128x128xf32, #tpu.memory_space<vmem>> -> memref<128x128xf32, #tpu.memory_space<vmem>>
    %dma_start3A_304 = arith.constant 0 : i32
    %dma_start3A_305 = tpu.memref_slice %arg5[%dma_start3A_298, %dma_start3A_304] : memref<16x128xi32, #tpu.memory_space<vmem>> -> memref<1x128xi32, #tpu.memory_space<vmem>>
    %dma_start3A_306 = tpu.memref_squeeze %dma_start3A_305 : memref<1x128xi32, #tpu.memory_space<vmem>> -> memref<128xi32, #tpu.memory_space<vmem>>
    %dma_start3A_307 = arith.constant 0 : i32
    %dma_start3A_308 = arith.constant 0 : i32
    %dma_start3A_309 = tpu.memref_slice %arg7[%dma_start3A_307, %dma_start3A_308] : memref<128x128xf32, #tpu.memory_space<vmem_shared>> -> memref<128x128xf32, #tpu.memory_space<vmem_shared>>
    tpu.enqueue_indirect_dma source(%dma_start3A_309 : memref<128x128xf32, #tpu.memory_space<vmem_shared>>) target(%dma_start3A_303 : memref<128x128xf32, #tpu.memory_space<vmem>>) offsets(%dma_start3A_306 : memref<128xi32, #tpu.memory_space<vmem>>) semaphore(%arg8 : memref<!tpu.dma_semaphore, #tpu.memory_space<semaphore_mem>>)
    %dma_wait3A_310 = arith.constant 5 : i32
    %dma_wait3A_311 = arith.constant 1 : i32
    %dma_wait3A_312 = arith.constant 0 : i32
    %dma_wait3A_313 = arith.constant 0 : i32
    %dma_wait3A_314 = tpu.memref_slice %arg6[%dma_wait3A_311, %dma_wait3A_312, %dma_wait3A_313] : memref<4x128x128xf32, #tpu.memory_space<vmem>> -> memref<1x128x128xf32, #tpu.memory_space<vmem>>
    %dma_wait3A_315 = tpu.memref_squeeze %dma_wait3A_314 : memref<1x128x128xf32, #tpu.memory_space<vmem>> -> memref<128x128xf32, #tpu.memory_space<vmem>>
    %dma_wait3A_316 = arith.constant 0 : i32
    %dma_wait3A_317 = tpu.memref_slice %arg5[%dma_wait3A_310, %dma_wait3A_316] : memref<16x128xi32, #tpu.memory_space<vmem>> -> memref<1x128xi32, #tpu.memory_space<vmem>>
    %dma_wait3A_318 = tpu.memref_squeeze %dma_wait3A_317 : memref<1x128xi32, #tpu.memory_space<vmem>> -> memref<128xi32, #tpu.memory_space<vmem>>
    %dma_wait3A_319 = arith.constant 0 : i32
    %dma_wait3A_320 = arith.constant 0 : i32
    %dma_wait3A_321 = tpu.memref_slice %arg7[%dma_wait3A_319, %dma_wait3A_320] : memref<128x128xf32, #tpu.memory_space<vmem_shared>> -> memref<128x128xf32, #tpu.memory_space<vmem_shared>>
    tpu.wait_indirect_dma semaphore(%arg8 : memref<!tpu.dma_semaphore, #tpu.memory_space<semaphore_mem>>) src(%dma_wait3A_321 : memref<128x128xf32, #tpu.memory_space<vmem_shared>>) dst(%dma_wait3A_315 : memref<128x128xf32, #tpu.memory_space<vmem>>)
    %add3A_322 = arith.constant 640 : i32
    %add3A_323 = arith.addi %mul3A_0, %add3A_322 : i32
    %dma_start3A_324 = arith.constant 1 : i32
    %dma_start3A_325 = arith.constant 0 : i32
    %dma_start3A_326 = arith.constant 0 : i32
    %dma_start3A_327 = tpu.memref_slice %arg6[%dma_start3A_324, %dma_start3A_325, %dma_start3A_326] : memref<4x128x128xf32, #tpu.memory_space<vmem>> -> memref<1x128x128xf32, #tpu.memory_space<vmem>>
    %dma_start3A_328 = tpu.memref_squeeze %dma_start3A_327 : memref<1x128x128xf32, #tpu.memory_space<vmem>> -> memref<128x128xf32, #tpu.memory_space<vmem>>
    %dma_start3A_329 = arith.constant 0 : i32
    %dma_start3A_330 = tpu.memref_slice %arg4[%add3A_323, %dma_start3A_329] : memref<32768x128xf32, #tpu.memory_space<hbm>> -> memref<128x128xf32, #tpu.memory_space<hbm>>
    %dma_start3A_331 = arith.constant 0 : i32
    %dma_start3A_332 = tpu.memref_slice %arg4[%add3A_323, %dma_start3A_331] : memref<32768x128xf32, #tpu.memory_space<hbm>> -> memref<128x128xf32, #tpu.memory_space<hbm>>
    %dma_start3A_333 = arith.constant 0 : i32
    %dma_start3A_334 = arith.constant 0 : i32
    %dma_start3A_335 = tpu.memref_slice %arg6[%dma_start3A_324, %dma_start3A_333, %dma_start3A_334] : memref<4x128x128xf32, #tpu.memory_space<vmem>> -> memref<1x128x128xf32, #tpu.memory_space<vmem>>
    %dma_start3A_336 = tpu.memref_squeeze %dma_start3A_335 : memref<1x128x128xf32, #tpu.memory_space<vmem>> -> memref<128x128xf32, #tpu.memory_space<vmem>>
    tpu.enqueue_dma source(%dma_start3A_336 : memref<128x128xf32, #tpu.memory_space<vmem>>) target(%dma_start3A_332 : memref<128x128xf32, #tpu.memory_space<hbm>>) target_semaphore(%arg9 : memref<!tpu.dma_semaphore, #tpu.memory_space<semaphore_mem>>)
    %dma_wait3A_337 = arith.constant 1 : i32
    %dma_wait3A_338 = arith.constant 0 : i32
    %dma_wait3A_339 = arith.constant 0 : i32
    %dma_wait3A_340 = tpu.memref_slice %arg6[%dma_wait3A_337, %dma_wait3A_338, %dma_wait3A_339] : memref<4x128x128xf32, #tpu.memory_space<vmem>> -> memref<1x128x128xf32, #tpu.memory_space<vmem>>
    %dma_wait3A_341 = tpu.memref_squeeze %dma_wait3A_340 : memref<1x128x128xf32, #tpu.memory_space<vmem>> -> memref<128x128xf32, #tpu.memory_space<vmem>>
    %dma_wait3A_342 = arith.constant 0 : i32
    %dma_wait3A_343 = tpu.memref_slice %arg4[%add3A_323, %dma_wait3A_342] : memref<32768x128xf32, #tpu.memory_space<hbm>> -> memref<128x128xf32, #tpu.memory_space<hbm>>
    %dma_wait3A_344 = arith.constant 0 : i32
    %dma_wait3A_345 = tpu.memref_slice %arg4[%add3A_323, %dma_wait3A_344] : memref<32768x128xf32, #tpu.memory_space<hbm>> -> memref<128x128xf32, #tpu.memory_space<hbm>>
    %dma_wait3A_346 = arith.constant 0 : i32
    %dma_wait3A_347 = arith.constant 0 : i32
    %dma_wait3A_348 = tpu.memref_slice %arg6[%dma_wait3A_337, %dma_wait3A_346, %dma_wait3A_347] : memref<4x128x128xf32, #tpu.memory_space<vmem>> -> memref<1x128x128xf32, #tpu.memory_space<vmem>>
    %dma_wait3A_349 = tpu.memref_squeeze %dma_wait3A_348 : memref<1x128x128xf32, #tpu.memory_space<vmem>> -> memref<128x128xf32, #tpu.memory_space<vmem>>
    tpu.wait_dma2 semaphore(%arg9 : memref<!tpu.dma_semaphore, #tpu.memory_space<semaphore_mem>>) src(%dma_wait3A_349 : memref<128x128xf32, #tpu.memory_space<vmem>>) dst(%dma_wait3A_345 : memref<128x128xf32, #tpu.memory_space<hbm>>)
    %dma_start3A_350 = arith.constant 9 : i32
    %dma_start3A_351 = arith.constant 1 : i32
    %dma_start3A_352 = arith.constant 0 : i32
    %dma_start3A_353 = arith.constant 0 : i32
    %dma_start3A_354 = tpu.memref_slice %arg6[%dma_start3A_351, %dma_start3A_352, %dma_start3A_353] : memref<4x128x128xf32, #tpu.memory_space<vmem>> -> memref<1x128x128xf32, #tpu.memory_space<vmem>>
    %dma_start3A_355 = tpu.memref_squeeze %dma_start3A_354 : memref<1x128x128xf32, #tpu.memory_space<vmem>> -> memref<128x128xf32, #tpu.memory_space<vmem>>
    %dma_start3A_356 = arith.constant 0 : i32
    %dma_start3A_357 = tpu.memref_slice %arg5[%dma_start3A_350, %dma_start3A_356] : memref<16x128xi32, #tpu.memory_space<vmem>> -> memref<1x128xi32, #tpu.memory_space<vmem>>
    %dma_start3A_358 = tpu.memref_squeeze %dma_start3A_357 : memref<1x128xi32, #tpu.memory_space<vmem>> -> memref<128xi32, #tpu.memory_space<vmem>>
    %dma_start3A_359 = arith.constant 0 : i32
    %dma_start3A_360 = arith.constant 0 : i32
    %dma_start3A_361 = tpu.memref_slice %arg7[%dma_start3A_359, %dma_start3A_360] : memref<128x128xf32, #tpu.memory_space<vmem_shared>> -> memref<128x128xf32, #tpu.memory_space<vmem_shared>>
    tpu.enqueue_indirect_dma source(%dma_start3A_361 : memref<128x128xf32, #tpu.memory_space<vmem_shared>>) target(%dma_start3A_355 : memref<128x128xf32, #tpu.memory_space<vmem>>) offsets(%dma_start3A_358 : memref<128xi32, #tpu.memory_space<vmem>>) semaphore(%arg8 : memref<!tpu.dma_semaphore, #tpu.memory_space<semaphore_mem>>)
    %dma_wait3A_362 = arith.constant 6 : i32
    %dma_wait3A_363 = arith.constant 2 : i32
    %dma_wait3A_364 = arith.constant 0 : i32
    %dma_wait3A_365 = arith.constant 0 : i32
    %dma_wait3A_366 = tpu.memref_slice %arg6[%dma_wait3A_363, %dma_wait3A_364, %dma_wait3A_365] : memref<4x128x128xf32, #tpu.memory_space<vmem>> -> memref<1x128x128xf32, #tpu.memory_space<vmem>>
    %dma_wait3A_367 = tpu.memref_squeeze %dma_wait3A_366 : memref<1x128x128xf32, #tpu.memory_space<vmem>> -> memref<128x128xf32, #tpu.memory_space<vmem>>
    %dma_wait3A_368 = arith.constant 0 : i32
    %dma_wait3A_369 = tpu.memref_slice %arg5[%dma_wait3A_362, %dma_wait3A_368] : memref<16x128xi32, #tpu.memory_space<vmem>> -> memref<1x128xi32, #tpu.memory_space<vmem>>
    %dma_wait3A_370 = tpu.memref_squeeze %dma_wait3A_369 : memref<1x128xi32, #tpu.memory_space<vmem>> -> memref<128xi32, #tpu.memory_space<vmem>>
    %dma_wait3A_371 = arith.constant 0 : i32
    %dma_wait3A_372 = arith.constant 0 : i32
    %dma_wait3A_373 = tpu.memref_slice %arg7[%dma_wait3A_371, %dma_wait3A_372] : memref<128x128xf32, #tpu.memory_space<vmem_shared>> -> memref<128x128xf32, #tpu.memory_space<vmem_shared>>
    tpu.wait_indirect_dma semaphore(%arg8 : memref<!tpu.dma_semaphore, #tpu.memory_space<semaphore_mem>>) src(%dma_wait3A_373 : memref<128x128xf32, #tpu.memory_space<vmem_shared>>) dst(%dma_wait3A_367 : memref<128x128xf32, #tpu.memory_space<vmem>>)
    %add3A_374 = arith.constant 768 : i32
    %add3A_375 = arith.addi %mul3A_0, %add3A_374 : i32
    %dma_start3A_376 = arith.constant 2 : i32
    %dma_start3A_377 = arith.constant 0 : i32
    %dma_start3A_378 = arith.constant 0 : i32
    %dma_start3A_379 = tpu.memref_slice %arg6[%dma_start3A_376, %dma_start3A_377, %dma_start3A_378] : memref<4x128x128xf32, #tpu.memory_space<vmem>> -> memref<1x128x128xf32, #tpu.memory_space<vmem>>
    %dma_start3A_380 = tpu.memref_squeeze %dma_start3A_379 : memref<1x128x128xf32, #tpu.memory_space<vmem>> -> memref<128x128xf32, #tpu.memory_space<vmem>>
    %dma_start3A_381 = arith.constant 0 : i32
    %dma_start3A_382 = tpu.memref_slice %arg4[%add3A_375, %dma_start3A_381] : memref<32768x128xf32, #tpu.memory_space<hbm>> -> memref<128x128xf32, #tpu.memory_space<hbm>>
    %dma_start3A_383 = arith.constant 0 : i32
    %dma_start3A_384 = tpu.memref_slice %arg4[%add3A_375, %dma_start3A_383] : memref<32768x128xf32, #tpu.memory_space<hbm>> -> memref<128x128xf32, #tpu.memory_space<hbm>>
    %dma_start3A_385 = arith.constant 0 : i32
    %dma_start3A_386 = arith.constant 0 : i32
    %dma_start3A_387 = tpu.memref_slice %arg6[%dma_start3A_376, %dma_start3A_385, %dma_start3A_386] : memref<4x128x128xf32, #tpu.memory_space<vmem>> -> memref<1x128x128xf32, #tpu.memory_space<vmem>>
    %dma_start3A_388 = tpu.memref_squeeze %dma_start3A_387 : memref<1x128x128xf32, #tpu.memory_space<vmem>> -> memref<128x128xf32, #tpu.memory_space<vmem>>
    tpu.enqueue_dma source(%dma_start3A_388 : memref<128x128xf32, #tpu.memory_space<vmem>>) target(%dma_start3A_384 : memref<128x128xf32, #tpu.memory_space<hbm>>) target_semaphore(%arg9 : memref<!tpu.dma_semaphore, #tpu.memory_space<semaphore_mem>>)
    %dma_wait3A_389 = arith.constant 2 : i32
    %dma_wait3A_390 = arith.constant 0 : i32
    %dma_wait3A_391 = arith.constant 0 : i32
    %dma_wait3A_392 = tpu.memref_slice %arg6[%dma_wait3A_389, %dma_wait3A_390, %dma_wait3A_391] : memref<4x128x128xf32, #tpu.memory_space<vmem>> -> memref<1x128x128xf32, #tpu.memory_space<vmem>>
    %dma_wait3A_393 = tpu.memref_squeeze %dma_wait3A_392 : memref<1x128x128xf32, #tpu.memory_space<vmem>> -> memref<128x128xf32, #tpu.memory_space<vmem>>
    %dma_wait3A_394 = arith.constant 0 : i32
    %dma_wait3A_395 = tpu.memref_slice %arg4[%add3A_375, %dma_wait3A_394] : memref<32768x128xf32, #tpu.memory_space<hbm>> -> memref<128x128xf32, #tpu.memory_space<hbm>>
    %dma_wait3A_396 = arith.constant 0 : i32
    %dma_wait3A_397 = tpu.memref_slice %arg4[%add3A_375, %dma_wait3A_396] : memref<32768x128xf32, #tpu.memory_space<hbm>> -> memref<128x128xf32, #tpu.memory_space<hbm>>
    %dma_wait3A_398 = arith.constant 0 : i32
    %dma_wait3A_399 = arith.constant 0 : i32
    %dma_wait3A_400 = tpu.memref_slice %arg6[%dma_wait3A_389, %dma_wait3A_398, %dma_wait3A_399] : memref<4x128x128xf32, #tpu.memory_space<vmem>> -> memref<1x128x128xf32, #tpu.memory_space<vmem>>
    %dma_wait3A_401 = tpu.memref_squeeze %dma_wait3A_400 : memref<1x128x128xf32, #tpu.memory_space<vmem>> -> memref<128x128xf32, #tpu.memory_space<vmem>>
    tpu.wait_dma2 semaphore(%arg9 : memref<!tpu.dma_semaphore, #tpu.memory_space<semaphore_mem>>) src(%dma_wait3A_401 : memref<128x128xf32, #tpu.memory_space<vmem>>) dst(%dma_wait3A_397 : memref<128x128xf32, #tpu.memory_space<hbm>>)
    %dma_start3A_402 = arith.constant 10 : i32
    %dma_start3A_403 = arith.constant 2 : i32
    %dma_start3A_404 = arith.constant 0 : i32
    %dma_start3A_405 = arith.constant 0 : i32
    %dma_start3A_406 = tpu.memref_slice %arg6[%dma_start3A_403, %dma_start3A_404, %dma_start3A_405] : memref<4x128x128xf32, #tpu.memory_space<vmem>> -> memref<1x128x128xf32, #tpu.memory_space<vmem>>
    %dma_start3A_407 = tpu.memref_squeeze %dma_start3A_406 : memref<1x128x128xf32, #tpu.memory_space<vmem>> -> memref<128x128xf32, #tpu.memory_space<vmem>>
    %dma_start3A_408 = arith.constant 0 : i32
    %dma_start3A_409 = tpu.memref_slice %arg5[%dma_start3A_402, %dma_start3A_408] : memref<16x128xi32, #tpu.memory_space<vmem>> -> memref<1x128xi32, #tpu.memory_space<vmem>>
    %dma_start3A_410 = tpu.memref_squeeze %dma_start3A_409 : memref<1x128xi32, #tpu.memory_space<vmem>> -> memref<128xi32, #tpu.memory_space<vmem>>
    %dma_start3A_411 = arith.constant 0 : i32
    %dma_start3A_412 = arith.constant 0 : i32
    %dma_start3A_413 = tpu.memref_slice %arg7[%dma_start3A_411, %dma_start3A_412] : memref<128x128xf32, #tpu.memory_space<vmem_shared>> -> memref<128x128xf32, #tpu.memory_space<vmem_shared>>
    tpu.enqueue_indirect_dma source(%dma_start3A_413 : memref<128x128xf32, #tpu.memory_space<vmem_shared>>) target(%dma_start3A_407 : memref<128x128xf32, #tpu.memory_space<vmem>>) offsets(%dma_start3A_410 : memref<128xi32, #tpu.memory_space<vmem>>) semaphore(%arg8 : memref<!tpu.dma_semaphore, #tpu.memory_space<semaphore_mem>>)
    %dma_wait3A_414 = arith.constant 7 : i32
    %dma_wait3A_415 = arith.constant 3 : i32
    %dma_wait3A_416 = arith.constant 0 : i32
    %dma_wait3A_417 = arith.constant 0 : i32
    %dma_wait3A_418 = tpu.memref_slice %arg6[%dma_wait3A_415, %dma_wait3A_416, %dma_wait3A_417] : memref<4x128x128xf32, #tpu.memory_space<vmem>> -> memref<1x128x128xf32, #tpu.memory_space<vmem>>
    %dma_wait3A_419 = tpu.memref_squeeze %dma_wait3A_418 : memref<1x128x128xf32, #tpu.memory_space<vmem>> -> memref<128x128xf32, #tpu.memory_space<vmem>>
    %dma_wait3A_420 = arith.constant 0 : i32
    %dma_wait3A_421 = tpu.memref_slice %arg5[%dma_wait3A_414, %dma_wait3A_420] : memref<16x128xi32, #tpu.memory_space<vmem>> -> memref<1x128xi32, #tpu.memory_space<vmem>>
    %dma_wait3A_422 = tpu.memref_squeeze %dma_wait3A_421 : memref<1x128xi32, #tpu.memory_space<vmem>> -> memref<128xi32, #tpu.memory_space<vmem>>
    %dma_wait3A_423 = arith.constant 0 : i32
    %dma_wait3A_424 = arith.constant 0 : i32
    %dma_wait3A_425 = tpu.memref_slice %arg7[%dma_wait3A_423, %dma_wait3A_424] : memref<128x128xf32, #tpu.memory_space<vmem_shared>> -> memref<128x128xf32, #tpu.memory_space<vmem_shared>>
    tpu.wait_indirect_dma semaphore(%arg8 : memref<!tpu.dma_semaphore, #tpu.memory_space<semaphore_mem>>) src(%dma_wait3A_425 : memref<128x128xf32, #tpu.memory_space<vmem_shared>>) dst(%dma_wait3A_419 : memref<128x128xf32, #tpu.memory_space<vmem>>)
    %add3A_426 = arith.constant 896 : i32
    %add3A_427 = arith.addi %mul3A_0, %add3A_426 : i32
    %dma_start3A_428 = arith.constant 3 : i32
    %dma_start3A_429 = arith.constant 0 : i32
    %dma_start3A_430 = arith.constant 0 : i32
    %dma_start3A_431 = tpu.memref_slice %arg6[%dma_start3A_428, %dma_start3A_429, %dma_start3A_430] : memref<4x128x128xf32, #tpu.memory_space<vmem>> -> memref<1x128x128xf32, #tpu.memory_space<vmem>>
    %dma_start3A_432 = tpu.memref_squeeze %dma_start3A_431 : memref<1x128x128xf32, #tpu.memory_space<vmem>> -> memref<128x128xf32, #tpu.memory_space<vmem>>
    %dma_start3A_433 = arith.constant 0 : i32
    %dma_start3A_434 = tpu.memref_slice %arg4[%add3A_427, %dma_start3A_433] : memref<32768x128xf32, #tpu.memory_space<hbm>> -> memref<128x128xf32, #tpu.memory_space<hbm>>
    %dma_start3A_435 = arith.constant 0 : i32
    %dma_start3A_436 = tpu.memref_slice %arg4[%add3A_427, %dma_start3A_435] : memref<32768x128xf32, #tpu.memory_space<hbm>> -> memref<128x128xf32, #tpu.memory_space<hbm>>
    %dma_start3A_437 = arith.constant 0 : i32
    %dma_start3A_438 = arith.constant 0 : i32
    %dma_start3A_439 = tpu.memref_slice %arg6[%dma_start3A_428, %dma_start3A_437, %dma_start3A_438] : memref<4x128x128xf32, #tpu.memory_space<vmem>> -> memref<1x128x128xf32, #tpu.memory_space<vmem>>
    %dma_start3A_440 = tpu.memref_squeeze %dma_start3A_439 : memref<1x128x128xf32, #tpu.memory_space<vmem>> -> memref<128x128xf32, #tpu.memory_space<vmem>>
    tpu.enqueue_dma source(%dma_start3A_440 : memref<128x128xf32, #tpu.memory_space<vmem>>) target(%dma_start3A_436 : memref<128x128xf32, #tpu.memory_space<hbm>>) target_semaphore(%arg9 : memref<!tpu.dma_semaphore, #tpu.memory_space<semaphore_mem>>)
    %dma_wait3A_441 = arith.constant 3 : i32
    %dma_wait3A_442 = arith.constant 0 : i32
    %dma_wait3A_443 = arith.constant 0 : i32
    %dma_wait3A_444 = tpu.memref_slice %arg6[%dma_wait3A_441, %dma_wait3A_442, %dma_wait3A_443] : memref<4x128x128xf32, #tpu.memory_space<vmem>> -> memref<1x128x128xf32, #tpu.memory_space<vmem>>
    %dma_wait3A_445 = tpu.memref_squeeze %dma_wait3A_444 : memref<1x128x128xf32, #tpu.memory_space<vmem>> -> memref<128x128xf32, #tpu.memory_space<vmem>>
    %dma_wait3A_446 = arith.constant 0 : i32
    %dma_wait3A_447 = tpu.memref_slice %arg4[%add3A_427, %dma_wait3A_446] : memref<32768x128xf32, #tpu.memory_space<hbm>> -> memref<128x128xf32, #tpu.memory_space<hbm>>
    %dma_wait3A_448 = arith.constant 0 : i32
    %dma_wait3A_449 = tpu.memref_slice %arg4[%add3A_427, %dma_wait3A_448] : memref<32768x128xf32, #tpu.memory_space<hbm>> -> memref<128x128xf32, #tpu.memory_space<hbm>>
    %dma_wait3A_450 = arith.constant 0 : i32
    %dma_wait3A_451 = arith.constant 0 : i32
    %dma_wait3A_452 = tpu.memref_slice %arg6[%dma_wait3A_441, %dma_wait3A_450, %dma_wait3A_451] : memref<4x128x128xf32, #tpu.memory_space<vmem>> -> memref<1x128x128xf32, #tpu.memory_space<vmem>>
    %dma_wait3A_453 = tpu.memref_squeeze %dma_wait3A_452 : memref<1x128x128xf32, #tpu.memory_space<vmem>> -> memref<128x128xf32, #tpu.memory_space<vmem>>
    tpu.wait_dma2 semaphore(%arg9 : memref<!tpu.dma_semaphore, #tpu.memory_space<semaphore_mem>>) src(%dma_wait3A_453 : memref<128x128xf32, #tpu.memory_space<vmem>>) dst(%dma_wait3A_449 : memref<128x128xf32, #tpu.memory_space<hbm>>)
    %dma_start3A_454 = arith.constant 11 : i32
    %dma_start3A_455 = arith.constant 3 : i32
    %dma_start3A_456 = arith.constant 0 : i32
    %dma_start3A_457 = arith.constant 0 : i32
    %dma_start3A_458 = tpu.memref_slice %arg6[%dma_start3A_455, %dma_start3A_456, %dma_start3A_457] : memref<4x128x128xf32, #tpu.memory_space<vmem>> -> memref<1x128x128xf32, #tpu.memory_space<vmem>>
    %dma_start3A_459 = tpu.memref_squeeze %dma_start3A_458 : memref<1x128x128xf32, #tpu.memory_space<vmem>> -> memref<128x128xf32, #tpu.memory_space<vmem>>
    %dma_start3A_460 = arith.constant 0 : i32
    %dma_start3A_461 = tpu.memref_slice %arg5[%dma_start3A_454, %dma_start3A_460] : memref<16x128xi32, #tpu.memory_space<vmem>> -> memref<1x128xi32, #tpu.memory_space<vmem>>
    %dma_start3A_462 = tpu.memref_squeeze %dma_start3A_461 : memref<1x128xi32, #tpu.memory_space<vmem>> -> memref<128xi32, #tpu.memory_space<vmem>>
    %dma_start3A_463 = arith.constant 0 : i32
    %dma_start3A_464 = arith.constant 0 : i32
    %dma_start3A_465 = tpu.memref_slice %arg7[%dma_start3A_463, %dma_start3A_464] : memref<128x128xf32, #tpu.memory_space<vmem_shared>> -> memref<128x128xf32, #tpu.memory_space<vmem_shared>>
    tpu.enqueue_indirect_dma source(%dma_start3A_465 : memref<128x128xf32, #tpu.memory_space<vmem_shared>>) target(%dma_start3A_459 : memref<128x128xf32, #tpu.memory_space<vmem>>) offsets(%dma_start3A_462 : memref<128xi32, #tpu.memory_space<vmem>>) semaphore(%arg8 : memref<!tpu.dma_semaphore, #tpu.memory_space<semaphore_mem>>)
    %dma_wait3A_466 = arith.constant 8 : i32
    %dma_wait3A_467 = arith.constant 0 : i32
    %dma_wait3A_468 = arith.constant 0 : i32
    %dma_wait3A_469 = arith.constant 0 : i32
    %dma_wait3A_470 = tpu.memref_slice %arg6[%dma_wait3A_467, %dma_wait3A_468, %dma_wait3A_469] : memref<4x128x128xf32, #tpu.memory_space<vmem>> -> memref<1x128x128xf32, #tpu.memory_space<vmem>>
    %dma_wait3A_471 = tpu.memref_squeeze %dma_wait3A_470 : memref<1x128x128xf32, #tpu.memory_space<vmem>> -> memref<128x128xf32, #tpu.memory_space<vmem>>
    %dma_wait3A_472 = arith.constant 0 : i32
    %dma_wait3A_473 = tpu.memref_slice %arg5[%dma_wait3A_466, %dma_wait3A_472] : memref<16x128xi32, #tpu.memory_space<vmem>> -> memref<1x128xi32, #tpu.memory_space<vmem>>
    %dma_wait3A_474 = tpu.memref_squeeze %dma_wait3A_473 : memref<1x128xi32, #tpu.memory_space<vmem>> -> memref<128xi32, #tpu.memory_space<vmem>>
    %dma_wait3A_475 = arith.constant 0 : i32
    %dma_wait3A_476 = arith.constant 0 : i32
    %dma_wait3A_477 = tpu.memref_slice %arg7[%dma_wait3A_475, %dma_wait3A_476] : memref<128x128xf32, #tpu.memory_space<vmem_shared>> -> memref<128x128xf32, #tpu.memory_space<vmem_shared>>
    tpu.wait_indirect_dma semaphore(%arg8 : memref<!tpu.dma_semaphore, #tpu.memory_space<semaphore_mem>>) src(%dma_wait3A_477 : memref<128x128xf32, #tpu.memory_space<vmem_shared>>) dst(%dma_wait3A_471 : memref<128x128xf32, #tpu.memory_space<vmem>>)
    %add3A_478 = arith.constant 1024 : i32
    %add3A_479 = arith.addi %mul3A_0, %add3A_478 : i32
    %dma_start3A_480 = arith.constant 0 : i32
    %dma_start3A_481 = arith.constant 0 : i32
    %dma_start3A_482 = arith.constant 0 : i32
    %dma_start3A_483 = tpu.memref_slice %arg6[%dma_start3A_480, %dma_start3A_481, %dma_start3A_482] : memref<4x128x128xf32, #tpu.memory_space<vmem>> -> memref<1x128x128xf32, #tpu.memory_space<vmem>>
    %dma_start3A_484 = tpu.memref_squeeze %dma_start3A_483 : memref<1x128x128xf32, #tpu.memory_space<vmem>> -> memref<128x128xf32, #tpu.memory_space<vmem>>
    %dma_start3A_485 = arith.constant 0 : i32
    %dma_start3A_486 = tpu.memref_slice %arg4[%add3A_479, %dma_start3A_485] : memref<32768x128xf32, #tpu.memory_space<hbm>> -> memref<128x128xf32, #tpu.memory_space<hbm>>
    %dma_start3A_487 = arith.constant 0 : i32
    %dma_start3A_488 = tpu.memref_slice %arg4[%add3A_479, %dma_start3A_487] : memref<32768x128xf32, #tpu.memory_space<hbm>> -> memref<128x128xf32, #tpu.memory_space<hbm>>
    %dma_start3A_489 = arith.constant 0 : i32
    %dma_start3A_490 = arith.constant 0 : i32
    %dma_start3A_491 = tpu.memref_slice %arg6[%dma_start3A_480, %dma_start3A_489, %dma_start3A_490] : memref<4x128x128xf32, #tpu.memory_space<vmem>> -> memref<1x128x128xf32, #tpu.memory_space<vmem>>
    %dma_start3A_492 = tpu.memref_squeeze %dma_start3A_491 : memref<1x128x128xf32, #tpu.memory_space<vmem>> -> memref<128x128xf32, #tpu.memory_space<vmem>>
    tpu.enqueue_dma source(%dma_start3A_492 : memref<128x128xf32, #tpu.memory_space<vmem>>) target(%dma_start3A_488 : memref<128x128xf32, #tpu.memory_space<hbm>>) target_semaphore(%arg9 : memref<!tpu.dma_semaphore, #tpu.memory_space<semaphore_mem>>)
    %dma_wait3A_493 = arith.constant 0 : i32
    %dma_wait3A_494 = arith.constant 0 : i32
    %dma_wait3A_495 = arith.constant 0 : i32
    %dma_wait3A_496 = tpu.memref_slice %arg6[%dma_wait3A_493, %dma_wait3A_494, %dma_wait3A_495] : memref<4x128x128xf32, #tpu.memory_space<vmem>> -> memref<1x128x128xf32, #tpu.memory_space<vmem>>
    %dma_wait3A_497 = tpu.memref_squeeze %dma_wait3A_496 : memref<1x128x128xf32, #tpu.memory_space<vmem>> -> memref<128x128xf32, #tpu.memory_space<vmem>>
    %dma_wait3A_498 = arith.constant 0 : i32
    %dma_wait3A_499 = tpu.memref_slice %arg4[%add3A_479, %dma_wait3A_498] : memref<32768x128xf32, #tpu.memory_space<hbm>> -> memref<128x128xf32, #tpu.memory_space<hbm>>
    %dma_wait3A_500 = arith.constant 0 : i32
    %dma_wait3A_501 = tpu.memref_slice %arg4[%add3A_479, %dma_wait3A_500] : memref<32768x128xf32, #tpu.memory_space<hbm>> -> memref<128x128xf32, #tpu.memory_space<hbm>>
    %dma_wait3A_502 = arith.constant 0 : i32
    %dma_wait3A_503 = arith.constant 0 : i32
    %dma_wait3A_504 = tpu.memref_slice %arg6[%dma_wait3A_493, %dma_wait3A_502, %dma_wait3A_503] : memref<4x128x128xf32, #tpu.memory_space<vmem>> -> memref<1x128x128xf32, #tpu.memory_space<vmem>>
    %dma_wait3A_505 = tpu.memref_squeeze %dma_wait3A_504 : memref<1x128x128xf32, #tpu.memory_space<vmem>> -> memref<128x128xf32, #tpu.memory_space<vmem>>
    tpu.wait_dma2 semaphore(%arg9 : memref<!tpu.dma_semaphore, #tpu.memory_space<semaphore_mem>>) src(%dma_wait3A_505 : memref<128x128xf32, #tpu.memory_space<vmem>>) dst(%dma_wait3A_501 : memref<128x128xf32, #tpu.memory_space<hbm>>)
    %dma_start3A_506 = arith.constant 12 : i32
    %dma_start3A_507 = arith.constant 0 : i32
    %dma_start3A_508 = arith.constant 0 : i32
    %dma_start3A_509 = arith.constant 0 : i32
    %dma_start3A_510 = tpu.memref_slice %arg6[%dma_start3A_507, %dma_start3A_508, %dma_start3A_509] : memref<4x128x128xf32, #tpu.memory_space<vmem>> -> memref<1x128x128xf32, #tpu.memory_space<vmem>>
    %dma_start3A_511 = tpu.memref_squeeze %dma_start3A_510 : memref<1x128x128xf32, #tpu.memory_space<vmem>> -> memref<128x128xf32, #tpu.memory_space<vmem>>
    %dma_start3A_512 = arith.constant 0 : i32
    %dma_start3A_513 = tpu.memref_slice %arg5[%dma_start3A_506, %dma_start3A_512] : memref<16x128xi32, #tpu.memory_space<vmem>> -> memref<1x128xi32, #tpu.memory_space<vmem>>
    %dma_start3A_514 = tpu.memref_squeeze %dma_start3A_513 : memref<1x128xi32, #tpu.memory_space<vmem>> -> memref<128xi32, #tpu.memory_space<vmem>>
    %dma_start3A_515 = arith.constant 0 : i32
    %dma_start3A_516 = arith.constant 0 : i32
    %dma_start3A_517 = tpu.memref_slice %arg7[%dma_start3A_515, %dma_start3A_516] : memref<128x128xf32, #tpu.memory_space<vmem_shared>> -> memref<128x128xf32, #tpu.memory_space<vmem_shared>>
    tpu.enqueue_indirect_dma source(%dma_start3A_517 : memref<128x128xf32, #tpu.memory_space<vmem_shared>>) target(%dma_start3A_511 : memref<128x128xf32, #tpu.memory_space<vmem>>) offsets(%dma_start3A_514 : memref<128xi32, #tpu.memory_space<vmem>>) semaphore(%arg8 : memref<!tpu.dma_semaphore, #tpu.memory_space<semaphore_mem>>)
    %dma_wait3A_518 = arith.constant 9 : i32
    %dma_wait3A_519 = arith.constant 1 : i32
    %dma_wait3A_520 = arith.constant 0 : i32
    %dma_wait3A_521 = arith.constant 0 : i32
    %dma_wait3A_522 = tpu.memref_slice %arg6[%dma_wait3A_519, %dma_wait3A_520, %dma_wait3A_521] : memref<4x128x128xf32, #tpu.memory_space<vmem>> -> memref<1x128x128xf32, #tpu.memory_space<vmem>>
    %dma_wait3A_523 = tpu.memref_squeeze %dma_wait3A_522 : memref<1x128x128xf32, #tpu.memory_space<vmem>> -> memref<128x128xf32, #tpu.memory_space<vmem>>
    %dma_wait3A_524 = arith.constant 0 : i32
    %dma_wait3A_525 = tpu.memref_slice %arg5[%dma_wait3A_518, %dma_wait3A_524] : memref<16x128xi32, #tpu.memory_space<vmem>> -> memref<1x128xi32, #tpu.memory_space<vmem>>
    %dma_wait3A_526 = tpu.memref_squeeze %dma_wait3A_525 : memref<1x128xi32, #tpu.memory_space<vmem>> -> memref<128xi32, #tpu.memory_space<vmem>>
    %dma_wait3A_527 = arith.constant 0 : i32
    %dma_wait3A_528 = arith.constant 0 : i32
    %dma_wait3A_529 = tpu.memref_slice %arg7[%dma_wait3A_527, %dma_wait3A_528] : memref<128x128xf32, #tpu.memory_space<vmem_shared>> -> memref<128x128xf32, #tpu.memory_space<vmem_shared>>
    tpu.wait_indirect_dma semaphore(%arg8 : memref<!tpu.dma_semaphore, #tpu.memory_space<semaphore_mem>>) src(%dma_wait3A_529 : memref<128x128xf32, #tpu.memory_space<vmem_shared>>) dst(%dma_wait3A_523 : memref<128x128xf32, #tpu.memory_space<vmem>>)
    %add3A_530 = arith.constant 1152 : i32
    %add3A_531 = arith.addi %mul3A_0, %add3A_530 : i32
    %dma_start3A_532 = arith.constant 1 : i32
    %dma_start3A_533 = arith.constant 0 : i32
    %dma_start3A_534 = arith.constant 0 : i32
    %dma_start3A_535 = tpu.memref_slice %arg6[%dma_start3A_532, %dma_start3A_533, %dma_start3A_534] : memref<4x128x128xf32, #tpu.memory_space<vmem>> -> memref<1x128x128xf32, #tpu.memory_space<vmem>>
    %dma_start3A_536 = tpu.memref_squeeze %dma_start3A_535 : memref<1x128x128xf32, #tpu.memory_space<vmem>> -> memref<128x128xf32, #tpu.memory_space<vmem>>
    %dma_start3A_537 = arith.constant 0 : i32
    %dma_start3A_538 = tpu.memref_slice %arg4[%add3A_531, %dma_start3A_537] : memref<32768x128xf32, #tpu.memory_space<hbm>> -> memref<128x128xf32, #tpu.memory_space<hbm>>
    %dma_start3A_539 = arith.constant 0 : i32
    %dma_start3A_540 = tpu.memref_slice %arg4[%add3A_531, %dma_start3A_539] : memref<32768x128xf32, #tpu.memory_space<hbm>> -> memref<128x128xf32, #tpu.memory_space<hbm>>
    %dma_start3A_541 = arith.constant 0 : i32
    %dma_start3A_542 = arith.constant 0 : i32
    %dma_start3A_543 = tpu.memref_slice %arg6[%dma_start3A_532, %dma_start3A_541, %dma_start3A_542] : memref<4x128x128xf32, #tpu.memory_space<vmem>> -> memref<1x128x128xf32, #tpu.memory_space<vmem>>
    %dma_start3A_544 = tpu.memref_squeeze %dma_start3A_543 : memref<1x128x128xf32, #tpu.memory_space<vmem>> -> memref<128x128xf32, #tpu.memory_space<vmem>>
    tpu.enqueue_dma source(%dma_start3A_544 : memref<128x128xf32, #tpu.memory_space<vmem>>) target(%dma_start3A_540 : memref<128x128xf32, #tpu.memory_space<hbm>>) target_semaphore(%arg9 : memref<!tpu.dma_semaphore, #tpu.memory_space<semaphore_mem>>)
    %dma_wait3A_545 = arith.constant 1 : i32
    %dma_wait3A_546 = arith.constant 0 : i32
    %dma_wait3A_547 = arith.constant 0 : i32
    %dma_wait3A_548 = tpu.memref_slice %arg6[%dma_wait3A_545, %dma_wait3A_546, %dma_wait3A_547] : memref<4x128x128xf32, #tpu.memory_space<vmem>> -> memref<1x128x128xf32, #tpu.memory_space<vmem>>
    %dma_wait3A_549 = tpu.memref_squeeze %dma_wait3A_548 : memref<1x128x128xf32, #tpu.memory_space<vmem>> -> memref<128x128xf32, #tpu.memory_space<vmem>>
    %dma_wait3A_550 = arith.constant 0 : i32
    %dma_wait3A_551 = tpu.memref_slice %arg4[%add3A_531, %dma_wait3A_550] : memref<32768x128xf32, #tpu.memory_space<hbm>> -> memref<128x128xf32, #tpu.memory_space<hbm>>
    %dma_wait3A_552 = arith.constant 0 : i32
    %dma_wait3A_553 = tpu.memref_slice %arg4[%add3A_531, %dma_wait3A_552] : memref<32768x128xf32, #tpu.memory_space<hbm>> -> memref<128x128xf32, #tpu.memory_space<hbm>>
    %dma_wait3A_554 = arith.constant 0 : i32
    %dma_wait3A_555 = arith.constant 0 : i32
    %dma_wait3A_556 = tpu.memref_slice %arg6[%dma_wait3A_545, %dma_wait3A_554, %dma_wait3A_555] : memref<4x128x128xf32, #tpu.memory_space<vmem>> -> memref<1x128x128xf32, #tpu.memory_space<vmem>>
    %dma_wait3A_557 = tpu.memref_squeeze %dma_wait3A_556 : memref<1x128x128xf32, #tpu.memory_space<vmem>> -> memref<128x128xf32, #tpu.memory_space<vmem>>
    tpu.wait_dma2 semaphore(%arg9 : memref<!tpu.dma_semaphore, #tpu.memory_space<semaphore_mem>>) src(%dma_wait3A_557 : memref<128x128xf32, #tpu.memory_space<vmem>>) dst(%dma_wait3A_553 : memref<128x128xf32, #tpu.memory_space<hbm>>)
    %dma_start3A_558 = arith.constant 13 : i32
    %dma_start3A_559 = arith.constant 1 : i32
    %dma_start3A_560 = arith.constant 0 : i32
    %dma_start3A_561 = arith.constant 0 : i32
    %dma_start3A_562 = tpu.memref_slice %arg6[%dma_start3A_559, %dma_start3A_560, %dma_start3A_561] : memref<4x128x128xf32, #tpu.memory_space<vmem>> -> memref<1x128x128xf32, #tpu.memory_space<vmem>>
    %dma_start3A_563 = tpu.memref_squeeze %dma_start3A_562 : memref<1x128x128xf32, #tpu.memory_space<vmem>> -> memref<128x128xf32, #tpu.memory_space<vmem>>
    %dma_start3A_564 = arith.constant 0 : i32
    %dma_start3A_565 = tpu.memref_slice %arg5[%dma_start3A_558, %dma_start3A_564] : memref<16x128xi32, #tpu.memory_space<vmem>> -> memref<1x128xi32, #tpu.memory_space<vmem>>
    %dma_start3A_566 = tpu.memref_squeeze %dma_start3A_565 : memref<1x128xi32, #tpu.memory_space<vmem>> -> memref<128xi32, #tpu.memory_space<vmem>>
    %dma_start3A_567 = arith.constant 0 : i32
    %dma_start3A_568 = arith.constant 0 : i32
    %dma_start3A_569 = tpu.memref_slice %arg7[%dma_start3A_567, %dma_start3A_568] : memref<128x128xf32, #tpu.memory_space<vmem_shared>> -> memref<128x128xf32, #tpu.memory_space<vmem_shared>>
    tpu.enqueue_indirect_dma source(%dma_start3A_569 : memref<128x128xf32, #tpu.memory_space<vmem_shared>>) target(%dma_start3A_563 : memref<128x128xf32, #tpu.memory_space<vmem>>) offsets(%dma_start3A_566 : memref<128xi32, #tpu.memory_space<vmem>>) semaphore(%arg8 : memref<!tpu.dma_semaphore, #tpu.memory_space<semaphore_mem>>)
    %dma_wait3A_570 = arith.constant 10 : i32
    %dma_wait3A_571 = arith.constant 2 : i32
    %dma_wait3A_572 = arith.constant 0 : i32
    %dma_wait3A_573 = arith.constant 0 : i32
    %dma_wait3A_574 = tpu.memref_slice %arg6[%dma_wait3A_571, %dma_wait3A_572, %dma_wait3A_573] : memref<4x128x128xf32, #tpu.memory_space<vmem>> -> memref<1x128x128xf32, #tpu.memory_space<vmem>>
    %dma_wait3A_575 = tpu.memref_squeeze %dma_wait3A_574 : memref<1x128x128xf32, #tpu.memory_space<vmem>> -> memref<128x128xf32, #tpu.memory_space<vmem>>
    %dma_wait3A_576 = arith.constant 0 : i32
    %dma_wait3A_577 = tpu.memref_slice %arg5[%dma_wait3A_570, %dma_wait3A_576] : memref<16x128xi32, #tpu.memory_space<vmem>> -> memref<1x128xi32, #tpu.memory_space<vmem>>
    %dma_wait3A_578 = tpu.memref_squeeze %dma_wait3A_577 : memref<1x128xi32, #tpu.memory_space<vmem>> -> memref<128xi32, #tpu.memory_space<vmem>>
    %dma_wait3A_579 = arith.constant 0 : i32
    %dma_wait3A_580 = arith.constant 0 : i32
    %dma_wait3A_581 = tpu.memref_slice %arg7[%dma_wait3A_579, %dma_wait3A_580] : memref<128x128xf32, #tpu.memory_space<vmem_shared>> -> memref<128x128xf32, #tpu.memory_space<vmem_shared>>
    tpu.wait_indirect_dma semaphore(%arg8 : memref<!tpu.dma_semaphore, #tpu.memory_space<semaphore_mem>>) src(%dma_wait3A_581 : memref<128x128xf32, #tpu.memory_space<vmem_shared>>) dst(%dma_wait3A_575 : memref<128x128xf32, #tpu.memory_space<vmem>>)
    %add3A_582 = arith.constant 1280 : i32
    %add3A_583 = arith.addi %mul3A_0, %add3A_582 : i32
    %dma_start3A_584 = arith.constant 2 : i32
    %dma_start3A_585 = arith.constant 0 : i32
    %dma_start3A_586 = arith.constant 0 : i32
    %dma_start3A_587 = tpu.memref_slice %arg6[%dma_start3A_584, %dma_start3A_585, %dma_start3A_586] : memref<4x128x128xf32, #tpu.memory_space<vmem>> -> memref<1x128x128xf32, #tpu.memory_space<vmem>>
    %dma_start3A_588 = tpu.memref_squeeze %dma_start3A_587 : memref<1x128x128xf32, #tpu.memory_space<vmem>> -> memref<128x128xf32, #tpu.memory_space<vmem>>
    %dma_start3A_589 = arith.constant 0 : i32
    %dma_start3A_590 = tpu.memref_slice %arg4[%add3A_583, %dma_start3A_589] : memref<32768x128xf32, #tpu.memory_space<hbm>> -> memref<128x128xf32, #tpu.memory_space<hbm>>
    %dma_start3A_591 = arith.constant 0 : i32
    %dma_start3A_592 = tpu.memref_slice %arg4[%add3A_583, %dma_start3A_591] : memref<32768x128xf32, #tpu.memory_space<hbm>> -> memref<128x128xf32, #tpu.memory_space<hbm>>
    %dma_start3A_593 = arith.constant 0 : i32
    %dma_start3A_594 = arith.constant 0 : i32
    %dma_start3A_595 = tpu.memref_slice %arg6[%dma_start3A_584, %dma_start3A_593, %dma_start3A_594] : memref<4x128x128xf32, #tpu.memory_space<vmem>> -> memref<1x128x128xf32, #tpu.memory_space<vmem>>
    %dma_start3A_596 = tpu.memref_squeeze %dma_start3A_595 : memref<1x128x128xf32, #tpu.memory_space<vmem>> -> memref<128x128xf32, #tpu.memory_space<vmem>>
    tpu.enqueue_dma source(%dma_start3A_596 : memref<128x128xf32, #tpu.memory_space<vmem>>) target(%dma_start3A_592 : memref<128x128xf32, #tpu.memory_space<hbm>>) target_semaphore(%arg9 : memref<!tpu.dma_semaphore, #tpu.memory_space<semaphore_mem>>)
    %dma_wait3A_597 = arith.constant 2 : i32
    %dma_wait3A_598 = arith.constant 0 : i32
    %dma_wait3A_599 = arith.constant 0 : i32
    %dma_wait3A_600 = tpu.memref_slice %arg6[%dma_wait3A_597, %dma_wait3A_598, %dma_wait3A_599] : memref<4x128x128xf32, #tpu.memory_space<vmem>> -> memref<1x128x128xf32, #tpu.memory_space<vmem>>
    %dma_wait3A_601 = tpu.memref_squeeze %dma_wait3A_600 : memref<1x128x128xf32, #tpu.memory_space<vmem>> -> memref<128x128xf32, #tpu.memory_space<vmem>>
    %dma_wait3A_602 = arith.constant 0 : i32
    %dma_wait3A_603 = tpu.memref_slice %arg4[%add3A_583, %dma_wait3A_602] : memref<32768x128xf32, #tpu.memory_space<hbm>> -> memref<128x128xf32, #tpu.memory_space<hbm>>
    %dma_wait3A_604 = arith.constant 0 : i32
    %dma_wait3A_605 = tpu.memref_slice %arg4[%add3A_583, %dma_wait3A_604] : memref<32768x128xf32, #tpu.memory_space<hbm>> -> memref<128x128xf32, #tpu.memory_space<hbm>>
    %dma_wait3A_606 = arith.constant 0 : i32
    %dma_wait3A_607 = arith.constant 0 : i32
    %dma_wait3A_608 = tpu.memref_slice %arg6[%dma_wait3A_597, %dma_wait3A_606, %dma_wait3A_607] : memref<4x128x128xf32, #tpu.memory_space<vmem>> -> memref<1x128x128xf32, #tpu.memory_space<vmem>>
    %dma_wait3A_609 = tpu.memref_squeeze %dma_wait3A_608 : memref<1x128x128xf32, #tpu.memory_space<vmem>> -> memref<128x128xf32, #tpu.memory_space<vmem>>
    tpu.wait_dma2 semaphore(%arg9 : memref<!tpu.dma_semaphore, #tpu.memory_space<semaphore_mem>>) src(%dma_wait3A_609 : memref<128x128xf32, #tpu.memory_space<vmem>>) dst(%dma_wait3A_605 : memref<128x128xf32, #tpu.memory_space<hbm>>)
    %dma_start3A_610 = arith.constant 14 : i32
    %dma_start3A_611 = arith.constant 2 : i32
    %dma_start3A_612 = arith.constant 0 : i32
    %dma_start3A_613 = arith.constant 0 : i32
    %dma_start3A_614 = tpu.memref_slice %arg6[%dma_start3A_611, %dma_start3A_612, %dma_start3A_613] : memref<4x128x128xf32, #tpu.memory_space<vmem>> -> memref<1x128x128xf32, #tpu.memory_space<vmem>>
    %dma_start3A_615 = tpu.memref_squeeze %dma_start3A_614 : memref<1x128x128xf32, #tpu.memory_space<vmem>> -> memref<128x128xf32, #tpu.memory_space<vmem>>
    %dma_start3A_616 = arith.constant 0 : i32
    %dma_start3A_617 = tpu.memref_slice %arg5[%dma_start3A_610, %dma_start3A_616] : memref<16x128xi32, #tpu.memory_space<vmem>> -> memref<1x128xi32, #tpu.memory_space<vmem>>
    %dma_start3A_618 = tpu.memref_squeeze %dma_start3A_617 : memref<1x128xi32, #tpu.memory_space<vmem>> -> memref<128xi32, #tpu.memory_space<vmem>>
    %dma_start3A_619 = arith.constant 0 : i32
    %dma_start3A_620 = arith.constant 0 : i32
    %dma_start3A_621 = tpu.memref_slice %arg7[%dma_start3A_619, %dma_start3A_620] : memref<128x128xf32, #tpu.memory_space<vmem_shared>> -> memref<128x128xf32, #tpu.memory_space<vmem_shared>>
    tpu.enqueue_indirect_dma source(%dma_start3A_621 : memref<128x128xf32, #tpu.memory_space<vmem_shared>>) target(%dma_start3A_615 : memref<128x128xf32, #tpu.memory_space<vmem>>) offsets(%dma_start3A_618 : memref<128xi32, #tpu.memory_space<vmem>>) semaphore(%arg8 : memref<!tpu.dma_semaphore, #tpu.memory_space<semaphore_mem>>)
    %dma_wait3A_622 = arith.constant 11 : i32
    %dma_wait3A_623 = arith.constant 3 : i32
    %dma_wait3A_624 = arith.constant 0 : i32
    %dma_wait3A_625 = arith.constant 0 : i32
    %dma_wait3A_626 = tpu.memref_slice %arg6[%dma_wait3A_623, %dma_wait3A_624, %dma_wait3A_625] : memref<4x128x128xf32, #tpu.memory_space<vmem>> -> memref<1x128x128xf32, #tpu.memory_space<vmem>>
    %dma_wait3A_627 = tpu.memref_squeeze %dma_wait3A_626 : memref<1x128x128xf32, #tpu.memory_space<vmem>> -> memref<128x128xf32, #tpu.memory_space<vmem>>
    %dma_wait3A_628 = arith.constant 0 : i32
    %dma_wait3A_629 = tpu.memref_slice %arg5[%dma_wait3A_622, %dma_wait3A_628] : memref<16x128xi32, #tpu.memory_space<vmem>> -> memref<1x128xi32, #tpu.memory_space<vmem>>
    %dma_wait3A_630 = tpu.memref_squeeze %dma_wait3A_629 : memref<1x128xi32, #tpu.memory_space<vmem>> -> memref<128xi32, #tpu.memory_space<vmem>>
    %dma_wait3A_631 = arith.constant 0 : i32
    %dma_wait3A_632 = arith.constant 0 : i32
    %dma_wait3A_633 = tpu.memref_slice %arg7[%dma_wait3A_631, %dma_wait3A_632] : memref<128x128xf32, #tpu.memory_space<vmem_shared>> -> memref<128x128xf32, #tpu.memory_space<vmem_shared>>
    tpu.wait_indirect_dma semaphore(%arg8 : memref<!tpu.dma_semaphore, #tpu.memory_space<semaphore_mem>>) src(%dma_wait3A_633 : memref<128x128xf32, #tpu.memory_space<vmem_shared>>) dst(%dma_wait3A_627 : memref<128x128xf32, #tpu.memory_space<vmem>>)
    %add3A_634 = arith.constant 1408 : i32
    %add3A_635 = arith.addi %mul3A_0, %add3A_634 : i32
    %dma_start3A_636 = arith.constant 3 : i32
    %dma_start3A_637 = arith.constant 0 : i32
    %dma_start3A_638 = arith.constant 0 : i32
    %dma_start3A_639 = tpu.memref_slice %arg6[%dma_start3A_636, %dma_start3A_637, %dma_start3A_638] : memref<4x128x128xf32, #tpu.memory_space<vmem>> -> memref<1x128x128xf32, #tpu.memory_space<vmem>>
    %dma_start3A_640 = tpu.memref_squeeze %dma_start3A_639 : memref<1x128x128xf32, #tpu.memory_space<vmem>> -> memref<128x128xf32, #tpu.memory_space<vmem>>
    %dma_start3A_641 = arith.constant 0 : i32
    %dma_start3A_642 = tpu.memref_slice %arg4[%add3A_635, %dma_start3A_641] : memref<32768x128xf32, #tpu.memory_space<hbm>> -> memref<128x128xf32, #tpu.memory_space<hbm>>
    %dma_start3A_643 = arith.constant 0 : i32
    %dma_start3A_644 = tpu.memref_slice %arg4[%add3A_635, %dma_start3A_643] : memref<32768x128xf32, #tpu.memory_space<hbm>> -> memref<128x128xf32, #tpu.memory_space<hbm>>
    %dma_start3A_645 = arith.constant 0 : i32
    %dma_start3A_646 = arith.constant 0 : i32
    %dma_start3A_647 = tpu.memref_slice %arg6[%dma_start3A_636, %dma_start3A_645, %dma_start3A_646] : memref<4x128x128xf32, #tpu.memory_space<vmem>> -> memref<1x128x128xf32, #tpu.memory_space<vmem>>
    %dma_start3A_648 = tpu.memref_squeeze %dma_start3A_647 : memref<1x128x128xf32, #tpu.memory_space<vmem>> -> memref<128x128xf32, #tpu.memory_space<vmem>>
    tpu.enqueue_dma source(%dma_start3A_648 : memref<128x128xf32, #tpu.memory_space<vmem>>) target(%dma_start3A_644 : memref<128x128xf32, #tpu.memory_space<hbm>>) target_semaphore(%arg9 : memref<!tpu.dma_semaphore, #tpu.memory_space<semaphore_mem>>)
    %dma_wait3A_649 = arith.constant 3 : i32
    %dma_wait3A_650 = arith.constant 0 : i32
    %dma_wait3A_651 = arith.constant 0 : i32
    %dma_wait3A_652 = tpu.memref_slice %arg6[%dma_wait3A_649, %dma_wait3A_650, %dma_wait3A_651] : memref<4x128x128xf32, #tpu.memory_space<vmem>> -> memref<1x128x128xf32, #tpu.memory_space<vmem>>
    %dma_wait3A_653 = tpu.memref_squeeze %dma_wait3A_652 : memref<1x128x128xf32, #tpu.memory_space<vmem>> -> memref<128x128xf32, #tpu.memory_space<vmem>>
    %dma_wait3A_654 = arith.constant 0 : i32
    %dma_wait3A_655 = tpu.memref_slice %arg4[%add3A_635, %dma_wait3A_654] : memref<32768x128xf32, #tpu.memory_space<hbm>> -> memref<128x128xf32, #tpu.memory_space<hbm>>
    %dma_wait3A_656 = arith.constant 0 : i32
    %dma_wait3A_657 = tpu.memref_slice %arg4[%add3A_635, %dma_wait3A_656] : memref<32768x128xf32, #tpu.memory_space<hbm>> -> memref<128x128xf32, #tpu.memory_space<hbm>>
    %dma_wait3A_658 = arith.constant 0 : i32
    %dma_wait3A_659 = arith.constant 0 : i32
    %dma_wait3A_660 = tpu.memref_slice %arg6[%dma_wait3A_649, %dma_wait3A_658, %dma_wait3A_659] : memref<4x128x128xf32, #tpu.memory_space<vmem>> -> memref<1x128x128xf32, #tpu.memory_space<vmem>>
    %dma_wait3A_661 = tpu.memref_squeeze %dma_wait3A_660 : memref<1x128x128xf32, #tpu.memory_space<vmem>> -> memref<128x128xf32, #tpu.memory_space<vmem>>
    tpu.wait_dma2 semaphore(%arg9 : memref<!tpu.dma_semaphore, #tpu.memory_space<semaphore_mem>>) src(%dma_wait3A_661 : memref<128x128xf32, #tpu.memory_space<vmem>>) dst(%dma_wait3A_657 : memref<128x128xf32, #tpu.memory_space<hbm>>)
    %dma_start3A_662 = arith.constant 15 : i32
    %dma_start3A_663 = arith.constant 3 : i32
    %dma_start3A_664 = arith.constant 0 : i32
    %dma_start3A_665 = arith.constant 0 : i32
    %dma_start3A_666 = tpu.memref_slice %arg6[%dma_start3A_663, %dma_start3A_664, %dma_start3A_665] : memref<4x128x128xf32, #tpu.memory_space<vmem>> -> memref<1x128x128xf32, #tpu.memory_space<vmem>>
    %dma_start3A_667 = tpu.memref_squeeze %dma_start3A_666 : memref<1x128x128xf32, #tpu.memory_space<vmem>> -> memref<128x128xf32, #tpu.memory_space<vmem>>
    %dma_start3A_668 = arith.constant 0 : i32
    %dma_start3A_669 = tpu.memref_slice %arg5[%dma_start3A_662, %dma_start3A_668] : memref<16x128xi32, #tpu.memory_space<vmem>> -> memref<1x128xi32, #tpu.memory_space<vmem>>
    %dma_start3A_670 = tpu.memref_squeeze %dma_start3A_669 : memref<1x128xi32, #tpu.memory_space<vmem>> -> memref<128xi32, #tpu.memory_space<vmem>>
    %dma_start3A_671 = arith.constant 0 : i32
    %dma_start3A_672 = arith.constant 0 : i32
    %dma_start3A_673 = tpu.memref_slice %arg7[%dma_start3A_671, %dma_start3A_672] : memref<128x128xf32, #tpu.memory_space<vmem_shared>> -> memref<128x128xf32, #tpu.memory_space<vmem_shared>>
    tpu.enqueue_indirect_dma source(%dma_start3A_673 : memref<128x128xf32, #tpu.memory_space<vmem_shared>>) target(%dma_start3A_667 : memref<128x128xf32, #tpu.memory_space<vmem>>) offsets(%dma_start3A_670 : memref<128xi32, #tpu.memory_space<vmem>>) semaphore(%arg8 : memref<!tpu.dma_semaphore, #tpu.memory_space<semaphore_mem>>)
    %dma_wait3A_674 = arith.constant 12 : i32
    %dma_wait3A_675 = arith.constant 0 : i32
    %dma_wait3A_676 = arith.constant 0 : i32
    %dma_wait3A_677 = arith.constant 0 : i32
    %dma_wait3A_678 = tpu.memref_slice %arg6[%dma_wait3A_675, %dma_wait3A_676, %dma_wait3A_677] : memref<4x128x128xf32, #tpu.memory_space<vmem>> -> memref<1x128x128xf32, #tpu.memory_space<vmem>>
    %dma_wait3A_679 = tpu.memref_squeeze %dma_wait3A_678 : memref<1x128x128xf32, #tpu.memory_space<vmem>> -> memref<128x128xf32, #tpu.memory_space<vmem>>
    %dma_wait3A_680 = arith.constant 0 : i32
    %dma_wait3A_681 = tpu.memref_slice %arg5[%dma_wait3A_674, %dma_wait3A_680] : memref<16x128xi32, #tpu.memory_space<vmem>> -> memref<1x128xi32, #tpu.memory_space<vmem>>
    %dma_wait3A_682 = tpu.memref_squeeze %dma_wait3A_681 : memref<1x128xi32, #tpu.memory_space<vmem>> -> memref<128xi32, #tpu.memory_space<vmem>>
    %dma_wait3A_683 = arith.constant 0 : i32
    %dma_wait3A_684 = arith.constant 0 : i32
    %dma_wait3A_685 = tpu.memref_slice %arg7[%dma_wait3A_683, %dma_wait3A_684] : memref<128x128xf32, #tpu.memory_space<vmem_shared>> -> memref<128x128xf32, #tpu.memory_space<vmem_shared>>
    tpu.wait_indirect_dma semaphore(%arg8 : memref<!tpu.dma_semaphore, #tpu.memory_space<semaphore_mem>>) src(%dma_wait3A_685 : memref<128x128xf32, #tpu.memory_space<vmem_shared>>) dst(%dma_wait3A_679 : memref<128x128xf32, #tpu.memory_space<vmem>>)
    %add3A_686 = arith.constant 1536 : i32
    %add3A_687 = arith.addi %mul3A_0, %add3A_686 : i32
    %dma_start3A_688 = arith.constant 0 : i32
    %dma_start3A_689 = arith.constant 0 : i32
    %dma_start3A_690 = arith.constant 0 : i32
    %dma_start3A_691 = tpu.memref_slice %arg6[%dma_start3A_688, %dma_start3A_689, %dma_start3A_690] : memref<4x128x128xf32, #tpu.memory_space<vmem>> -> memref<1x128x128xf32, #tpu.memory_space<vmem>>
    %dma_start3A_692 = tpu.memref_squeeze %dma_start3A_691 : memref<1x128x128xf32, #tpu.memory_space<vmem>> -> memref<128x128xf32, #tpu.memory_space<vmem>>
    %dma_start3A_693 = arith.constant 0 : i32
    %dma_start3A_694 = tpu.memref_slice %arg4[%add3A_687, %dma_start3A_693] : memref<32768x128xf32, #tpu.memory_space<hbm>> -> memref<128x128xf32, #tpu.memory_space<hbm>>
    %dma_start3A_695 = arith.constant 0 : i32
    %dma_start3A_696 = tpu.memref_slice %arg4[%add3A_687, %dma_start3A_695] : memref<32768x128xf32, #tpu.memory_space<hbm>> -> memref<128x128xf32, #tpu.memory_space<hbm>>
    %dma_start3A_697 = arith.constant 0 : i32
    %dma_start3A_698 = arith.constant 0 : i32
    %dma_start3A_699 = tpu.memref_slice %arg6[%dma_start3A_688, %dma_start3A_697, %dma_start3A_698] : memref<4x128x128xf32, #tpu.memory_space<vmem>> -> memref<1x128x128xf32, #tpu.memory_space<vmem>>
    %dma_start3A_700 = tpu.memref_squeeze %dma_start3A_699 : memref<1x128x128xf32, #tpu.memory_space<vmem>> -> memref<128x128xf32, #tpu.memory_space<vmem>>
    tpu.enqueue_dma source(%dma_start3A_700 : memref<128x128xf32, #tpu.memory_space<vmem>>) target(%dma_start3A_696 : memref<128x128xf32, #tpu.memory_space<hbm>>) target_semaphore(%arg9 : memref<!tpu.dma_semaphore, #tpu.memory_space<semaphore_mem>>)
    %dma_wait3A_701 = arith.constant 0 : i32
    %dma_wait3A_702 = arith.constant 0 : i32
    %dma_wait3A_703 = arith.constant 0 : i32
    %dma_wait3A_704 = tpu.memref_slice %arg6[%dma_wait3A_701, %dma_wait3A_702, %dma_wait3A_703] : memref<4x128x128xf32, #tpu.memory_space<vmem>> -> memref<1x128x128xf32, #tpu.memory_space<vmem>>
    %dma_wait3A_705 = tpu.memref_squeeze %dma_wait3A_704 : memref<1x128x128xf32, #tpu.memory_space<vmem>> -> memref<128x128xf32, #tpu.memory_space<vmem>>
    %dma_wait3A_706 = arith.constant 0 : i32
    %dma_wait3A_707 = tpu.memref_slice %arg4[%add3A_687, %dma_wait3A_706] : memref<32768x128xf32, #tpu.memory_space<hbm>> -> memref<128x128xf32, #tpu.memory_space<hbm>>
    %dma_wait3A_708 = arith.constant 0 : i32
    %dma_wait3A_709 = tpu.memref_slice %arg4[%add3A_687, %dma_wait3A_708] : memref<32768x128xf32, #tpu.memory_space<hbm>> -> memref<128x128xf32, #tpu.memory_space<hbm>>
    %dma_wait3A_710 = arith.constant 0 : i32
    %dma_wait3A_711 = arith.constant 0 : i32
    %dma_wait3A_712 = tpu.memref_slice %arg6[%dma_wait3A_701, %dma_wait3A_710, %dma_wait3A_711] : memref<4x128x128xf32, #tpu.memory_space<vmem>> -> memref<1x128x128xf32, #tpu.memory_space<vmem>>
    %dma_wait3A_713 = tpu.memref_squeeze %dma_wait3A_712 : memref<1x128x128xf32, #tpu.memory_space<vmem>> -> memref<128x128xf32, #tpu.memory_space<vmem>>
    tpu.wait_dma2 semaphore(%arg9 : memref<!tpu.dma_semaphore, #tpu.memory_space<semaphore_mem>>) src(%dma_wait3A_713 : memref<128x128xf32, #tpu.memory_space<vmem>>) dst(%dma_wait3A_709 : memref<128x128xf32, #tpu.memory_space<hbm>>)
    %dma_wait3A_714 = arith.constant 13 : i32
    %dma_wait3A_715 = arith.constant 1 : i32
    %dma_wait3A_716 = arith.constant 0 : i32
    %dma_wait3A_717 = arith.constant 0 : i32
    %dma_wait3A_718 = tpu.memref_slice %arg6[%dma_wait3A_715, %dma_wait3A_716, %dma_wait3A_717] : memref<4x128x128xf32, #tpu.memory_space<vmem>> -> memref<1x128x128xf32, #tpu.memory_space<vmem>>
    %dma_wait3A_719 = tpu.memref_squeeze %dma_wait3A_718 : memref<1x128x128xf32, #tpu.memory_space<vmem>> -> memref<128x128xf32, #tpu.memory_space<vmem>>
    %dma_wait3A_720 = arith.constant 0 : i32
    %dma_wait3A_721 = tpu.memref_slice %arg5[%dma_wait3A_714, %dma_wait3A_720] : memref<16x128xi32, #tpu.memory_space<vmem>> -> memref<1x128xi32, #tpu.memory_space<vmem>>
    %dma_wait3A_722 = tpu.memref_squeeze %dma_wait3A_721 : memref<1x128xi32, #tpu.memory_space<vmem>> -> memref<128xi32, #tpu.memory_space<vmem>>
    %dma_wait3A_723 = arith.constant 0 : i32
    %dma_wait3A_724 = arith.constant 0 : i32
    %dma_wait3A_725 = tpu.memref_slice %arg7[%dma_wait3A_723, %dma_wait3A_724] : memref<128x128xf32, #tpu.memory_space<vmem_shared>> -> memref<128x128xf32, #tpu.memory_space<vmem_shared>>
    tpu.wait_indirect_dma semaphore(%arg8 : memref<!tpu.dma_semaphore, #tpu.memory_space<semaphore_mem>>) src(%dma_wait3A_725 : memref<128x128xf32, #tpu.memory_space<vmem_shared>>) dst(%dma_wait3A_719 : memref<128x128xf32, #tpu.memory_space<vmem>>)
    %add3A_726 = arith.constant 1664 : i32
    %add3A_727 = arith.addi %mul3A_0, %add3A_726 : i32
    %dma_start3A_728 = arith.constant 1 : i32
    %dma_start3A_729 = arith.constant 0 : i32
    %dma_start3A_730 = arith.constant 0 : i32
    %dma_start3A_731 = tpu.memref_slice %arg6[%dma_start3A_728, %dma_start3A_729, %dma_start3A_730] : memref<4x128x128xf32, #tpu.memory_space<vmem>> -> memref<1x128x128xf32, #tpu.memory_space<vmem>>
    %dma_start3A_732 = tpu.memref_squeeze %dma_start3A_731 : memref<1x128x128xf32, #tpu.memory_space<vmem>> -> memref<128x128xf32, #tpu.memory_space<vmem>>
    %dma_start3A_733 = arith.constant 0 : i32
    %dma_start3A_734 = tpu.memref_slice %arg4[%add3A_727, %dma_start3A_733] : memref<32768x128xf32, #tpu.memory_space<hbm>> -> memref<128x128xf32, #tpu.memory_space<hbm>>
    %dma_start3A_735 = arith.constant 0 : i32
    %dma_start3A_736 = tpu.memref_slice %arg4[%add3A_727, %dma_start3A_735] : memref<32768x128xf32, #tpu.memory_space<hbm>> -> memref<128x128xf32, #tpu.memory_space<hbm>>
    %dma_start3A_737 = arith.constant 0 : i32
    %dma_start3A_738 = arith.constant 0 : i32
    %dma_start3A_739 = tpu.memref_slice %arg6[%dma_start3A_728, %dma_start3A_737, %dma_start3A_738] : memref<4x128x128xf32, #tpu.memory_space<vmem>> -> memref<1x128x128xf32, #tpu.memory_space<vmem>>
    %dma_start3A_740 = tpu.memref_squeeze %dma_start3A_739 : memref<1x128x128xf32, #tpu.memory_space<vmem>> -> memref<128x128xf32, #tpu.memory_space<vmem>>
    tpu.enqueue_dma source(%dma_start3A_740 : memref<128x128xf32, #tpu.memory_space<vmem>>) target(%dma_start3A_736 : memref<128x128xf32, #tpu.memory_space<hbm>>) target_semaphore(%arg9 : memref<!tpu.dma_semaphore, #tpu.memory_space<semaphore_mem>>)
    %dma_wait3A_741 = arith.constant 1 : i32
    %dma_wait3A_742 = arith.constant 0 : i32
    %dma_wait3A_743 = arith.constant 0 : i32
    %dma_wait3A_744 = tpu.memref_slice %arg6[%dma_wait3A_741, %dma_wait3A_742, %dma_wait3A_743] : memref<4x128x128xf32, #tpu.memory_space<vmem>> -> memref<1x128x128xf32, #tpu.memory_space<vmem>>
    %dma_wait3A_745 = tpu.memref_squeeze %dma_wait3A_744 : memref<1x128x128xf32, #tpu.memory_space<vmem>> -> memref<128x128xf32, #tpu.memory_space<vmem>>
    %dma_wait3A_746 = arith.constant 0 : i32
    %dma_wait3A_747 = tpu.memref_slice %arg4[%add3A_727, %dma_wait3A_746] : memref<32768x128xf32, #tpu.memory_space<hbm>> -> memref<128x128xf32, #tpu.memory_space<hbm>>
    %dma_wait3A_748 = arith.constant 0 : i32
    %dma_wait3A_749 = tpu.memref_slice %arg4[%add3A_727, %dma_wait3A_748] : memref<32768x128xf32, #tpu.memory_space<hbm>> -> memref<128x128xf32, #tpu.memory_space<hbm>>
    %dma_wait3A_750 = arith.constant 0 : i32
    %dma_wait3A_751 = arith.constant 0 : i32
    %dma_wait3A_752 = tpu.memref_slice %arg6[%dma_wait3A_741, %dma_wait3A_750, %dma_wait3A_751] : memref<4x128x128xf32, #tpu.memory_space<vmem>> -> memref<1x128x128xf32, #tpu.memory_space<vmem>>
    %dma_wait3A_753 = tpu.memref_squeeze %dma_wait3A_752 : memref<1x128x128xf32, #tpu.memory_space<vmem>> -> memref<128x128xf32, #tpu.memory_space<vmem>>
    tpu.wait_dma2 semaphore(%arg9 : memref<!tpu.dma_semaphore, #tpu.memory_space<semaphore_mem>>) src(%dma_wait3A_753 : memref<128x128xf32, #tpu.memory_space<vmem>>) dst(%dma_wait3A_749 : memref<128x128xf32, #tpu.memory_space<hbm>>)
    %dma_wait3A_754 = arith.constant 14 : i32
    %dma_wait3A_755 = arith.constant 2 : i32
    %dma_wait3A_756 = arith.constant 0 : i32
    %dma_wait3A_757 = arith.constant 0 : i32
    %dma_wait3A_758 = tpu.memref_slice %arg6[%dma_wait3A_755, %dma_wait3A_756, %dma_wait3A_757] : memref<4x128x128xf32, #tpu.memory_space<vmem>> -> memref<1x128x128xf32, #tpu.memory_space<vmem>>
    %dma_wait3A_759 = tpu.memref_squeeze %dma_wait3A_758 : memref<1x128x128xf32, #tpu.memory_space<vmem>> -> memref<128x128xf32, #tpu.memory_space<vmem>>
    %dma_wait3A_760 = arith.constant 0 : i32
    %dma_wait3A_761 = tpu.memref_slice %arg5[%dma_wait3A_754, %dma_wait3A_760] : memref<16x128xi32, #tpu.memory_space<vmem>> -> memref<1x128xi32, #tpu.memory_space<vmem>>
    %dma_wait3A_762 = tpu.memref_squeeze %dma_wait3A_761 : memref<1x128xi32, #tpu.memory_space<vmem>> -> memref<128xi32, #tpu.memory_space<vmem>>
    %dma_wait3A_763 = arith.constant 0 : i32
    %dma_wait3A_764 = arith.constant 0 : i32
    %dma_wait3A_765 = tpu.memref_slice %arg7[%dma_wait3A_763, %dma_wait3A_764] : memref<128x128xf32, #tpu.memory_space<vmem_shared>> -> memref<128x128xf32, #tpu.memory_space<vmem_shared>>
    tpu.wait_indirect_dma semaphore(%arg8 : memref<!tpu.dma_semaphore, #tpu.memory_space<semaphore_mem>>) src(%dma_wait3A_765 : memref<128x128xf32, #tpu.memory_space<vmem_shared>>) dst(%dma_wait3A_759 : memref<128x128xf32, #tpu.memory_space<vmem>>)
    %add3A_766 = arith.constant 1792 : i32
    %add3A_767 = arith.addi %mul3A_0, %add3A_766 : i32
    %dma_start3A_768 = arith.constant 2 : i32
    %dma_start3A_769 = arith.constant 0 : i32
    %dma_start3A_770 = arith.constant 0 : i32
    %dma_start3A_771 = tpu.memref_slice %arg6[%dma_start3A_768, %dma_start3A_769, %dma_start3A_770] : memref<4x128x128xf32, #tpu.memory_space<vmem>> -> memref<1x128x128xf32, #tpu.memory_space<vmem>>
    %dma_start3A_772 = tpu.memref_squeeze %dma_start3A_771 : memref<1x128x128xf32, #tpu.memory_space<vmem>> -> memref<128x128xf32, #tpu.memory_space<vmem>>
    %dma_start3A_773 = arith.constant 0 : i32
    %dma_start3A_774 = tpu.memref_slice %arg4[%add3A_767, %dma_start3A_773] : memref<32768x128xf32, #tpu.memory_space<hbm>> -> memref<128x128xf32, #tpu.memory_space<hbm>>
    %dma_start3A_775 = arith.constant 0 : i32
    %dma_start3A_776 = tpu.memref_slice %arg4[%add3A_767, %dma_start3A_775] : memref<32768x128xf32, #tpu.memory_space<hbm>> -> memref<128x128xf32, #tpu.memory_space<hbm>>
    %dma_start3A_777 = arith.constant 0 : i32
    %dma_start3A_778 = arith.constant 0 : i32
    %dma_start3A_779 = tpu.memref_slice %arg6[%dma_start3A_768, %dma_start3A_777, %dma_start3A_778] : memref<4x128x128xf32, #tpu.memory_space<vmem>> -> memref<1x128x128xf32, #tpu.memory_space<vmem>>
    %dma_start3A_780 = tpu.memref_squeeze %dma_start3A_779 : memref<1x128x128xf32, #tpu.memory_space<vmem>> -> memref<128x128xf32, #tpu.memory_space<vmem>>
    tpu.enqueue_dma source(%dma_start3A_780 : memref<128x128xf32, #tpu.memory_space<vmem>>) target(%dma_start3A_776 : memref<128x128xf32, #tpu.memory_space<hbm>>) target_semaphore(%arg9 : memref<!tpu.dma_semaphore, #tpu.memory_space<semaphore_mem>>)
    %dma_wait3A_781 = arith.constant 2 : i32
    %dma_wait3A_782 = arith.constant 0 : i32
    %dma_wait3A_783 = arith.constant 0 : i32
    %dma_wait3A_784 = tpu.memref_slice %arg6[%dma_wait3A_781, %dma_wait3A_782, %dma_wait3A_783] : memref<4x128x128xf32, #tpu.memory_space<vmem>> -> memref<1x128x128xf32, #tpu.memory_space<vmem>>
    %dma_wait3A_785 = tpu.memref_squeeze %dma_wait3A_784 : memref<1x128x128xf32, #tpu.memory_space<vmem>> -> memref<128x128xf32, #tpu.memory_space<vmem>>
    %dma_wait3A_786 = arith.constant 0 : i32
    %dma_wait3A_787 = tpu.memref_slice %arg4[%add3A_767, %dma_wait3A_786] : memref<32768x128xf32, #tpu.memory_space<hbm>> -> memref<128x128xf32, #tpu.memory_space<hbm>>
    %dma_wait3A_788 = arith.constant 0 : i32
    %dma_wait3A_789 = tpu.memref_slice %arg4[%add3A_767, %dma_wait3A_788] : memref<32768x128xf32, #tpu.memory_space<hbm>> -> memref<128x128xf32, #tpu.memory_space<hbm>>
    %dma_wait3A_790 = arith.constant 0 : i32
    %dma_wait3A_791 = arith.constant 0 : i32
    %dma_wait3A_792 = tpu.memref_slice %arg6[%dma_wait3A_781, %dma_wait3A_790, %dma_wait3A_791] : memref<4x128x128xf32, #tpu.memory_space<vmem>> -> memref<1x128x128xf32, #tpu.memory_space<vmem>>
    %dma_wait3A_793 = tpu.memref_squeeze %dma_wait3A_792 : memref<1x128x128xf32, #tpu.memory_space<vmem>> -> memref<128x128xf32, #tpu.memory_space<vmem>>
    tpu.wait_dma2 semaphore(%arg9 : memref<!tpu.dma_semaphore, #tpu.memory_space<semaphore_mem>>) src(%dma_wait3A_793 : memref<128x128xf32, #tpu.memory_space<vmem>>) dst(%dma_wait3A_789 : memref<128x128xf32, #tpu.memory_space<hbm>>)
    %dma_wait3A_794 = arith.constant 15 : i32
    %dma_wait3A_795 = arith.constant 3 : i32
    %dma_wait3A_796 = arith.constant 0 : i32
    %dma_wait3A_797 = arith.constant 0 : i32
    %dma_wait3A_798 = tpu.memref_slice %arg6[%dma_wait3A_795, %dma_wait3A_796, %dma_wait3A_797] : memref<4x128x128xf32, #tpu.memory_space<vmem>> -> memref<1x128x128xf32, #tpu.memory_space<vmem>>
    %dma_wait3A_799 = tpu.memref_squeeze %dma_wait3A_798 : memref<1x128x128xf32, #tpu.memory_space<vmem>> -> memref<128x128xf32, #tpu.memory_space<vmem>>
    %dma_wait3A_800 = arith.constant 0 : i32
    %dma_wait3A_801 = tpu.memref_slice %arg5[%dma_wait3A_794, %dma_wait3A_800] : memref<16x128xi32, #tpu.memory_space<vmem>> -> memref<1x128xi32, #tpu.memory_space<vmem>>
    %dma_wait3A_802 = tpu.memref_squeeze %dma_wait3A_801 : memref<1x128xi32, #tpu.memory_space<vmem>> -> memref<128xi32, #tpu.memory_space<vmem>>
    %dma_wait3A_803 = arith.constant 0 : i32
    %dma_wait3A_804 = arith.constant 0 : i32
    %dma_wait3A_805 = tpu.memref_slice %arg7[%dma_wait3A_803, %dma_wait3A_804] : memref<128x128xf32, #tpu.memory_space<vmem_shared>> -> memref<128x128xf32, #tpu.memory_space<vmem_shared>>
    tpu.wait_indirect_dma semaphore(%arg8 : memref<!tpu.dma_semaphore, #tpu.memory_space<semaphore_mem>>) src(%dma_wait3A_805 : memref<128x128xf32, #tpu.memory_space<vmem_shared>>) dst(%dma_wait3A_799 : memref<128x128xf32, #tpu.memory_space<vmem>>)
    %add3A_806 = arith.constant 1920 : i32
    %add3A_807 = arith.addi %mul3A_0, %add3A_806 : i32
    %dma_start3A_808 = arith.constant 3 : i32
    %dma_start3A_809 = arith.constant 0 : i32
    %dma_start3A_810 = arith.constant 0 : i32
    %dma_start3A_811 = tpu.memref_slice %arg6[%dma_start3A_808, %dma_start3A_809, %dma_start3A_810] : memref<4x128x128xf32, #tpu.memory_space<vmem>> -> memref<1x128x128xf32, #tpu.memory_space<vmem>>
    %dma_start3A_812 = tpu.memref_squeeze %dma_start3A_811 : memref<1x128x128xf32, #tpu.memory_space<vmem>> -> memref<128x128xf32, #tpu.memory_space<vmem>>
    %dma_start3A_813 = arith.constant 0 : i32
    %dma_start3A_814 = tpu.memref_slice %arg4[%add3A_807, %dma_start3A_813] : memref<32768x128xf32, #tpu.memory_space<hbm>> -> memref<128x128xf32, #tpu.memory_space<hbm>>
    %dma_start3A_815 = arith.constant 0 : i32
    %dma_start3A_816 = tpu.memref_slice %arg4[%add3A_807, %dma_start3A_815] : memref<32768x128xf32, #tpu.memory_space<hbm>> -> memref<128x128xf32, #tpu.memory_space<hbm>>
    %dma_start3A_817 = arith.constant 0 : i32
    %dma_start3A_818 = arith.constant 0 : i32
    %dma_start3A_819 = tpu.memref_slice %arg6[%dma_start3A_808, %dma_start3A_817, %dma_start3A_818] : memref<4x128x128xf32, #tpu.memory_space<vmem>> -> memref<1x128x128xf32, #tpu.memory_space<vmem>>
    %dma_start3A_820 = tpu.memref_squeeze %dma_start3A_819 : memref<1x128x128xf32, #tpu.memory_space<vmem>> -> memref<128x128xf32, #tpu.memory_space<vmem>>
    tpu.enqueue_dma source(%dma_start3A_820 : memref<128x128xf32, #tpu.memory_space<vmem>>) target(%dma_start3A_816 : memref<128x128xf32, #tpu.memory_space<hbm>>) target_semaphore(%arg9 : memref<!tpu.dma_semaphore, #tpu.memory_space<semaphore_mem>>)
    %dma_wait3A_821 = arith.constant 3 : i32
    %dma_wait3A_822 = arith.constant 0 : i32
    %dma_wait3A_823 = arith.constant 0 : i32
    %dma_wait3A_824 = tpu.memref_slice %arg6[%dma_wait3A_821, %dma_wait3A_822, %dma_wait3A_823] : memref<4x128x128xf32, #tpu.memory_space<vmem>> -> memref<1x128x128xf32, #tpu.memory_space<vmem>>
    %dma_wait3A_825 = tpu.memref_squeeze %dma_wait3A_824 : memref<1x128x128xf32, #tpu.memory_space<vmem>> -> memref<128x128xf32, #tpu.memory_space<vmem>>
    %dma_wait3A_826 = arith.constant 0 : i32
    %dma_wait3A_827 = tpu.memref_slice %arg4[%add3A_807, %dma_wait3A_826] : memref<32768x128xf32, #tpu.memory_space<hbm>> -> memref<128x128xf32, #tpu.memory_space<hbm>>
    %dma_wait3A_828 = arith.constant 0 : i32
    %dma_wait3A_829 = tpu.memref_slice %arg4[%add3A_807, %dma_wait3A_828] : memref<32768x128xf32, #tpu.memory_space<hbm>> -> memref<128x128xf32, #tpu.memory_space<hbm>>
    %dma_wait3A_830 = arith.constant 0 : i32
    %dma_wait3A_831 = arith.constant 0 : i32
    %dma_wait3A_832 = tpu.memref_slice %arg6[%dma_wait3A_821, %dma_wait3A_830, %dma_wait3A_831] : memref<4x128x128xf32, #tpu.memory_space<vmem>> -> memref<1x128x128xf32, #tpu.memory_space<vmem>>
    %dma_wait3A_833 = tpu.memref_squeeze %dma_wait3A_832 : memref<1x128x128xf32, #tpu.memory_space<vmem>> -> memref<128x128xf32, #tpu.memory_space<vmem>>
    tpu.wait_dma2 semaphore(%arg9 : memref<!tpu.dma_semaphore, #tpu.memory_space<semaphore_mem>>) src(%dma_wait3A_833 : memref<128x128xf32, #tpu.memory_space<vmem>>) dst(%dma_wait3A_829 : memref<128x128xf32, #tpu.memory_space<hbm>>)
    return
  }
}

module attributes {stable_mosaic.version = 14 : i64} {
  func.func @_tables_body(%arg0: memref<128x128xf32, #tpu.memory_space<vmem>>, %arg1: memref<128x128xf32, #tpu.memory_space<vmem>>, %arg2: memref<1x128xf32, #tpu.memory_space<vmem>>, %arg3: memref<128x128xf32, #tpu.memory_space<vmem>>, %arg4: memref<1x128xf32, #tpu.memory_space<vmem>>, %arg5: memref<128x256xf32, #tpu.memory_space<vmem>>) attributes {dimension_semantics = [], scalar_prefetch = 0 : i64, scratch_operands = 0 : i64, tpu.core_type = #tpu.core_type<tc>} {
    %get3A = arith.constant 0 : index
    %get3A_0 = arith.constant 0 : index
    %get3A_1 = vector.load %arg0[%get3A, %get3A_0] : memref<128x128xf32, #tpu.memory_space<vmem>>, vector<128x128xf32>
    %get3A_2 = arith.constant 0 : index
    %get3A_3 = arith.constant 0 : index
    %get3A_4 = vector.load %arg1[%get3A_2, %get3A_3] : memref<128x128xf32, #tpu.memory_space<vmem>>, vector<128x128xf32>
    %dot_general3A = arith.constant dense<0.000000e+00> : vector<128x128xf32>
    %dot_general3A_5 = tpu.matmul %get3A_1, %get3A_4, %dot_general3A {dimension_numbers = #tpu.dot_dimension_numbers<[1], [0], [0], [1], [0, 0, 1, 1], [], []>, transpose_lhs_hint = false} : vector<128x128xf32>, vector<128x128xf32>, vector<128x128xf32> -> vector<128x128xf32>
    %get3A_6 = arith.constant 0 : index
    %get3A_7 = arith.constant 0 : index
    %get3A_8 = vector.load %arg2[%get3A_6, %get3A_7] : memref<1x128xf32, #tpu.memory_space<vmem>>, vector<1x128xf32>
    %add3A = vector.broadcast %get3A_8 : vector<1x128xf32> to vector<128x128xf32>
    %add3A_9 = arith.addf %dot_general3A_5, %add3A : vector<128x128xf32>
    %swap3A = arith.constant 0 : index
    %swap3A_10 = arith.constant 0 : index
    %swap3A_11 = vector.load %arg5[%swap3A, %swap3A_10] : memref<128x256xf32, #tpu.memory_space<vmem>>, vector<128x128xf32>
    tpu.vector_store %arg5[%swap3A, %swap3A_10], %add3A_9 {strides = array<i32>} : memref<128x256xf32, #tpu.memory_space<vmem>>, vector<128x128xf32>,
    %get3A_12 = arith.constant 0 : index
    %get3A_13 = arith.constant 0 : index
    %get3A_14 = vector.load %arg3[%get3A_12, %get3A_13] : memref<128x128xf32, #tpu.memory_space<vmem>>, vector<128x128xf32>
    %dot_general3A_15 = arith.constant dense<0.000000e+00> : vector<128x128xf32>
    %dot_general3A_16 = tpu.matmul %add3A_9, %get3A_14, %dot_general3A_15 {dimension_numbers = #tpu.dot_dimension_numbers<[1], [0], [0], [1], [0, 0, 1, 1], [], []>, transpose_lhs_hint = false} : vector<128x128xf32>, vector<128x128xf32>, vector<128x128xf32> -> vector<128x128xf32>
    %get3A_17 = arith.constant 0 : index
    %get3A_18 = arith.constant 0 : index
    %get3A_19 = vector.load %arg4[%get3A_17, %get3A_18] : memref<1x128xf32, #tpu.memory_space<vmem>>, vector<1x128xf32>
    %add3A_20 = vector.broadcast %get3A_19 : vector<1x128xf32> to vector<128x128xf32>
    %add3A_21 = arith.addf %dot_general3A_16, %add3A_20 : vector<128x128xf32>
    %swap3A_22 = arith.constant 0 : index
    %swap3A_23 = arith.constant 128 : index
    %swap3A_24 = vector.load %arg5[%swap3A_22, %swap3A_23] : memref<128x256xf32, #tpu.memory_space<vmem>>, vector<128x128xf32>
    tpu.vector_store %arg5[%swap3A_22, %swap3A_23], %add3A_21 {strides = array<i32>} : memref<128x256xf32, #tpu.memory_space<vmem>>, vector<128x128xf32>,
    return
  }
}

module attributes {stable_mosaic.version = 14 : i64} {
  func.func @_onehot_body(%arg0: i32, %arg1: memref<1x1x512xi32, #tpu.memory_space<vmem>>, %arg2: memref<128x256xf32, #tpu.memory_space<vmem>>, %arg3: memref<512x128xf32, #tpu.memory_space<vmem>>, %arg4: memref<512x128xf32, #tpu.memory_space<vmem>>) attributes {dimension_semantics = [#tpu.dimension_semantics<arbitrary>], iteration_bounds = array<i64: 64>, scalar_prefetch = 0 : i64, scratch_operands = 0 : i64, tpu.core_type = #tpu.core_type<tc>, window_params = [{transform_indices = @transform_0, window_bounds = array<i64: 1, 1, 512>}, {pipeline_mode = #tpu.pipeline_mode<synchronous>, transform_indices = @transform_1, window_bounds = array<i64: 128, 256>}, {transform_indices = @transform_2, window_bounds = array<i64: 512, 128>}, {transform_indices = @transform_3, window_bounds = array<i64: 512, 128>}]} {
    %get3A = arith.constant 0 : index
    %get3A_0 = arith.constant 0 : index
    %get3A_1 = arith.constant 0 : index
    %get3A_2 = vector.load %arg1[%get3A, %get3A_0, %get3A_1] : memref<1x1x512xi32, #tpu.memory_space<vmem>>, vector<1x1x512xi32>
    %get3A_3 = vector.shape_cast %get3A_2 : vector<1x1x512xi32> to vector<512xi32>
    %reshape3A = vector.shape_cast %get3A_3 : vector<512xi32> to vector<512x1xi32>
    %iota3A = tpu.iota {dimensions = array<i32: 1>} : vector<512x128xi32>
    %eq3A = vector.broadcast %reshape3A : vector<512x1xi32> to vector<512x128xi32>
    %eq3A_4 = arith.cmpi eq, %eq3A, %iota3A : vector<512x128xi32>
    %convert_element_type3A = arith.extui %eq3A_4 : vector<512x128xi1> to vector<512x128xi32>
    %convert_element_type3A_5 = arith.sitofp %convert_element_type3A : vector<512x128xi32> to vector<512x128xf32>
    %get3A_6 = arith.constant 0 : index
    %get3A_7 = arith.constant 0 : index
    %get3A_8 = vector.load %arg2[%get3A_6, %get3A_7] : memref<128x256xf32, #tpu.memory_space<vmem>>, vector<128x256xf32>
    %dot_general3A = arith.constant dense<0.000000e+00> : vector<512x256xf32>
    %dot_general3A_9 = tpu.matmul %convert_element_type3A_5, %get3A_8, %dot_general3A {dimension_numbers = #tpu.dot_dimension_numbers<[1], [0], [0], [1], [0, 0, 1, 1], [], []>, transpose_lhs_hint = false} : vector<512x128xf32>, vector<128x256xf32>, vector<512x256xf32> -> vector<512x256xf32>
    %slice3A = vector.extract_strided_slice %dot_general3A_9 {offsets = [0, 0], sizes = [512, 128], strides = [1, 1]} : vector<512x256xf32> to vector<512x128xf32>
    %swap3A = arith.constant 0 : index
    %swap3A_10 = arith.constant 0 : index
    %swap3A_11 = vector.load %arg3[%swap3A, %swap3A_10] : memref<512x128xf32, #tpu.memory_space<vmem>>, vector<512x128xf32>
    tpu.vector_store %arg3[%swap3A, %swap3A_10], %slice3A {strides = array<i32>} : memref<512x128xf32, #tpu.memory_space<vmem>>, vector<512x128xf32>,
    %slice3A_12 = vector.extract_strided_slice %dot_general3A_9 {offsets = [0, 128], sizes = [512, 128], strides = [1, 1]} : vector<512x256xf32> to vector<512x128xf32>
    %swap3A_13 = arith.constant 0 : index
    %swap3A_14 = arith.constant 0 : index
    %swap3A_15 = vector.load %arg4[%swap3A_13, %swap3A_14] : memref<512x128xf32, #tpu.memory_space<vmem>>, vector<512x128xf32>
    tpu.vector_store %arg4[%swap3A_13, %swap3A_14], %slice3A_12 {strides = array<i32>} : memref<512x128xf32, #tpu.memory_space<vmem>>, vector<512x128xf32>,
    return
  }
  func.func @transform_0(%arg0: i32) -> (i32, i32, i32) {
    %c0_i32 = arith.constant 0 : i32
    %c0_i32_0 = arith.constant 0 : i32
    %c0_i32_1 = arith.constant 0 : i32
    return %arg0, %c0_i32, %c0_i32_0 : i32, i32, i32
  }
  func.func @transform_1(%arg0: i32) -> (i32, i32) {
    %c0_i32 = arith.constant 0 : i32
    %c0_i32_0 = arith.constant 0 : i32
    %c0_i32_1 = arith.constant 0 : i32
    return %c0_i32, %c0_i32_0 : i32, i32
  }
  func.func @transform_2(%arg0: i32) -> (i32, i32) {
    %c0_i32 = arith.constant 0 : i32
    %c0_i32_0 = arith.constant 0 : i32
    return %arg0, %c0_i32 : i32, i32
  }
  func.func @transform_3(%arg0: i32) -> (i32, i32) {
    %c0_i32 = arith.constant 0 : i32
    %c0_i32_0 = arith.constant 0 : i32
    return %arg0, %c0_i32 : i32, i32
  }
}

</mosaic_0001>

<sc_bundles>
// kernel: kernel.5.cloned.1.call-start
scs
__scs_entry_jumppad:
0x0: {  	(pc) =	sbr.rel $0x88, $3  }
0x1: {  	(tag) =	ssettag $0x0;
	lr =	simm.s32 $0x1  }
0x2: {  	[smem:$0x3F9B] =	sst lr;
	_ =	strace $0xD0000000  }
0x3: {  	_ = 	snop  }
0x4: {  	_ = 	snop  }
0x5: {  	_ = 	snop  }
0x6: {  	_ = 	snop  }
0x7: {  	_ = 	snop  }
__scs_overlays_trampoline_lowered:
0x8: {  	[smem:$0x3FAA] =	sst s0  }
0x9: {  	[smem:$0x3FAB] =	sst s1  }
0xa: {  	[smem:$0x3FAC] =	sst s2  }
0xb: {  	[smem:$0x3FAD] =	sst s3  }
0xc: {  	[smem:$0x3FAE] =	sst s4  }
0xd: {  	[smem:$0x3FAF] =	sst s5  }
0xe: {  	[smem:$0x3FB0] =	sst s6  }
0xf: {  	[smem:$0x3FB1] =	sst s7  }
0x10: {  	[smem:$0x3FB2] =	sst s8  }
0x11: {  	[smem:$0x3FB3] =	sst s9;
	s0 =	simm.s32 @!p0 $0x0  }
0x12: {  	s1 =	sld [smem:$0x3F99];
	s0 =	simm.s32 @p0 $0x1  }
0x13: {  	[smem:$0x3FB4] =	sst s0;
	s0 =	simm.s32 @!p1 $0x0  }
0x14: {  	s2 =	sld [smem:$0x3F98];
	s0 =	simm.s32 @p1 $0x1  }
0x15: {  	[smem:$0x3FB5] =	sst s0;
	s0 =	simm.s32 @!p2 $0x0  }
0x16: {  	s3 =	sld [smem:$0x3FDB];
	s0 =	simm.s32 @p2 $0x1  }
0x17: {  	s4 =	simm.s32 $0x1BF5;
	[smem:$0x3FB7] =	sst s0  }
0x18: {  	s0 =	sld [smem:$0x3F9A];
	_ =	swait.ge [sflag:s4], $0x0  }
0x19: {  	s7 =	sld [smem:$0x3F9B]  }
0x1a: {  	s8 =	sadd.s32 $0xFFFFE003, lr  }
0x1b: {  	s9 =	sadd.s32 $0xFFFFFEF7, lr;
	s5 =	simm.s32 $0xFFFFFFFF;
	p2 =	slt.u32 s8, $0xFFFFF086  }
0x1c: {  	p1 =	slt.u32 s9, $0xF7A;
	s5 =	simm.s32 @!p2 $0x0  }
0x1d: {  	s5 =	simm.s32 @p1 $0x1;
	p0 =	seq.s32 s7, s2  }
0x1e: {  	s7 =	smul.u32 @!p0 $0xF7A, s2;
	p2 =	seq.s32 @!p0 s5, $0x0  }
0x1f: {  	s9 =	smul.u32 $0xF7A, s1;
	s8 =	simm.s32 @!p0 $0x1BF5;
	p2 =	por !p2, p0  }
0x20: {  	[sflag:s8] =	ssyncset.s32 @!p0 $0xFFFFF086;
	s6 =	sadd.s32 @!p0 s3, s7;
	s7 =	simm.s32 @!p0 $0x108  }
0x21: {  	s3 =	sadd.s32 s3, s9;
	s6 =	sadd.s32 @!p0 $0x88, s6;
	s7 =	simm.s32 @p2 $0x1082  }
0x22: {  	[simem:s7], [sflag:s8] =	dma.local @!p0 [hbm:s6], $0xF7A  }
0x23: {  	s9 =	sor.u32 $0xD0000000, s2;
	s6 =	simm.s32 $0x108;
	_ =	swait.ge @!p0 [sflag:s8], $0x0  }
0x24: {  	s3 =	sadd.s32 $0x88, s3;
	s6 =	simm.s32 @!p1 $0x1082;
	[sflag:s4] =	ssyncset.s32 $0xFFFFF086  }
0x25: {  	[simem:s6], [sflag:s4] =	dma.local [hbm:s3], $0xF7A  }
0x26: {  	[smem:$0x3F9B] =	sst s1;
	(tag) =	ssettag s2;
	_ =	strace s9  }
0x27: {  	s1 =	sld [smem:$0x3FAB]  }
0x28: {  	s2 =	sld [smem:$0x3FAC]  }
0x29: {  	s4 =	sld [smem:$0x3FAE]  }
0x2a: {  	p0 =	seq.s32 s5, $0x0;
	s5 =	sld [smem:$0x3FAF]  }
0x2b: {  	s6 =	sld [smem:$0x3FB0]  }
0x2c: {  	s7 =	sld [smem:$0x3FB1]  }
0x2d: {  	s3 =	simm.s32 $0x108;
	s8 =	sld [smem:$0x3FB2]  }
0x2e: {  	s3 =	simm.s32 @!p0 $0x1082;
	s9 =	sld [smem:$0x3FB3]  }
0x2f: {  	lr =	sadd.s32 s0, s3;
	s0 =	sld [smem:$0x3FAA]  }
0x30: {  	s3 =	sld [smem:$0x3FAD]  }
0x31: {  	[smem:$0x3FB6] =	sst s10  }
0x32: {  	s10 =	sld [smem:$0x3FB4];
	_ =	sdelay $0x3  }
0x33: {  	p0 =	seq.s32 s10, $0x1;
	s10 =	sld [smem:$0x3FB6];
	_ =	sdelay $0x3  }
0x34: {  	[smem:$0x3FB6] =	sst s10  }
0x35: {  	s10 =	sld [smem:$0x3FB5];
	_ =	sdelay $0x3  }
0x36: {  	p1 =	seq.s32 s10, $0x1;
	s10 =	sld [smem:$0x3FB6];
	_ =	sdelay $0x3  }
0x37: {  	[smem:$0x3FB6] =	sst s10  }
0x38: {  	s10 =	sld [smem:$0x3FB7]  }
0x39: {  	_ = 	snop;
	(pc) =	sbr.ind lr, $3  }
0x3a: {  	_ = 	snop  }
0x3b: {  	_ = 	snop  }
0x3c: {  	p2 =	seq.s32 s10, $0x1;
	s10 =	sld [smem:$0x3FB6]  }
0x3d: {  	_ =	shalt  }
0x3e: {  	_ =	shalt  }
0x3f: {  	_ =	shalt  }
0x40: {  	_ =	shalt  }
0x41: {  	_ =	shalt  }
0x42: {  	_ =	shalt  }
0x43: {  	_ =	shalt  }
0x44: {  	_ =	shalt  }
0x45: {  	_ =	shalt  }
0x46: {  	_ =	shalt  }
0x47: {  	_ =	shalt  }
0x48: {  	_ =	shalt  }
0x49: {  	_ =	shalt  }
0x4a: {  	_ =	shalt  }
0x4b: {  	_ =	shalt  }
0x4c: {  	_ =	shalt  }
0x4d: {  	_ =	shalt  }
0x4e: {  	_ =	shalt  }
0x4f: {  	_ =	shalt  }
0x50: {  	_ =	shalt  }
0x51: {  	_ =	shalt  }
0x52: {  	_ =	shalt  }
0x53: {  	_ =	shalt  }
0x54: {  	_ =	shalt  }
0x55: {  	_ =	shalt  }
0x56: {  	_ =	shalt  }
0x57: {  	_ =	shalt  }
0x58: {  	_ =	shalt  }
0x59: {  	_ =	shalt  }
0x5a: {  	_ =	shalt  }
0x5b: {  	_ =	shalt  }
0x5c: {  	_ =	shalt  }
0x5d: {  	_ =	shalt  }
0x5e: {  	_ =	shalt  }
0x5f: {  	_ =	shalt  }
0x60: {  	_ =	shalt  }
0x61: {  	_ =	shalt  }
0x62: {  	_ =	shalt  }
0x63: {  	_ =	shalt  }
0x64: {  	_ =	shalt  }
0x65: {  	_ =	shalt  }
0x66: {  	_ =	shalt  }
0x67: {  	_ =	shalt  }
0x68: {  	_ =	shalt  }
0x69: {  	_ =	shalt  }
0x6a: {  	_ =	shalt  }
0x6b: {  	_ =	shalt  }
0x6c: {  	_ =	shalt  }
0x6d: {  	_ =	shalt  }
0x6e: {  	_ =	shalt  }
0x6f: {  	_ =	shalt  }
0x70: {  	_ =	shalt  }
0x71: {  	_ =	shalt  }
0x72: {  	_ =	shalt  }
0x73: {  	_ =	shalt  }
0x74: {  	_ =	shalt  }
0x75: {  	_ =	shalt  }
0x76: {  	_ =	shalt  }
0x77: {  	_ =	shalt  }
0x78: {  	_ =	shalt  }
0x79: {  	_ =	shalt  }
0x7a: {  	_ =	shalt  }
0x7b: {  	_ =	shalt  }
0x7c: {  	_ =	shalt  }
0x7d: {  	_ =	shalt  }
0x7e: {  	_ =	shalt  }
0x7f: {  	_ =	shalt  }
0x80: {  	_ =	shalt  }
0x81: {  	_ =	shalt  }
0x82: {  	_ =	shalt  }
0x83: {  	_ =	shalt  }
0x84: {  	_ =	shalt  }
0x85: {  	_ =	shalt  }
0x86: {  	_ =	shalt  }
0x87: {  	_ =	shalt  }
.Lfunc_end0:
.L_simem_size_0:
called_computation_lowered:
.L_overlay_start_0:
0x88: {  	s0 =	sld [smem:$0x3FD9]  }
0x89: {  	s1 =	sld [smem:$0x3FFE];
	_ =	sdelay $0x3  }
0x8a: {  	s0 =	sadd.s32 s1, s0  }
0x8b: {  	[smem:$0x3FC2] =	sst s0  }
0x8c: {  	_ = 	snop  }
0x8d: {  	s0 =	sld [smem:$0x3FD0];
	_ =	sdelay $0x2  }
0x8e: {  	s13 =	simm.s32 $0xA;
	s2 =	simm.s32 $0x10  }
0x8f: {  	[smem:s2], [sflag:s13] =	dma.local [hbm:s0], $0x1  }
0x90: {  	_ =	swait.eq [sflag:s13], $0x1  }
0x91: {  	[sflag:s13] =	ssyncset.done $0x0  }
0x92: {  	[sflag:s13] =	ssyncadd.s32 $0xFFFFFFFF  }
0x93: {  	s14 =	sld [smem:$0x10];
	(tm) =	ssettm $0x1  }
0x94: {  	s15 =	sld [smem:$0x3FFB];
	_ =	sdelay $0x3  }
0x95: {  	_ =	strace s15  }
0x96: {  	s1 =	sld [smem:$0x3FFC];
	_ =	sdelay $0x3  }
0x97: {  	_ =	strace s1  }
0x98: {  	s1 =	sld [smem:$0x3FFD];
	_ =	sdelay $0x3  }
0x99: {  	_ =	strace s1  }
0x9a: {  	_ =	strace $0x8FFFFFFF  }
0x9b: {  	s16 =	sld [smem:$0x3FDB];
	_ =	sdelay $0x1  }
0x9c: {  	s17 =	simm.s32 $_scs_section_size  }
0x9d: {  	s3 =	simm.s32 $_size__tile_overlayer_lowered;
	s4 =	simm.s32 $_tile_overlayer_lowered  }
0x9e: {  	s20 =	simm.s32 $0x1BFF;
	s19 =	sshll.u32 s4, $0x1;
	s1 =	sadd.s32 s17, s16  }
0x9f: {  	s5 =	simm.s32 $0x0;
	s18 =	sshll.u32 s3, $0x1;
	s3 =	sadd.s32 s19, s1  }
0xa0: {  	[timem:s5], [sflag:s20] =	dma.local [hbm:s3], s18  }
0xa1: {  	_ =	swait.ge [sflag:s20], s18  }
0xa2: {  	s2 =	ssub.s32 $0x0, s18;
	[sflag:s20] =	ssyncset.done $0x0  }
0xa3: {  	[sflag:s20] =	ssyncadd.s32 s2;
	_ =	sdelay $0x1  }
0xa4: {  	s21 =	simm.s32 $0x1B8B  }
0xa5: {  	_ =	swait.ge [sflag:s21], $0x1  }
0xa6: {  	[sflag:s21] =	ssyncset.done $0x0  }
0xa7: {  	s23 =	simm.s32 $0x1B8E;
	s22 =	sld [smem:$0x3FFE];
	[sflag:s21] =	ssyncadd.s32 $0xFFFFFFFF  }
0xa8: {  	s24 =	simm.s32 $execute0_lowered;
	[smem:$0x3FD2] =	sst s23  }
0xa9: {  	s3 =	sshll.u32 s24, $0x1;
	_ =	strace $0x80000046;
	[dreg:$0x1] =	wrdreg $0xFFFFFFFF  }
0xaa: {  	s25 =	simm.s32 $_size_execute0_lowered;
	s1 =	sadd.s32 s1, s3;
	[dreg:$0x0] =	wrdreg $0x0  }
0xab: {  	s3 =	sshll.u32 s25, $0x1;
	[dreg:$0x2] =	wrdreg s1  }
0xac: {  	[dreg:$0x3] =	wrdreg s3  }
0xad: {  	[dreg:$0x4] =	wrdreg $0xC0  }
0xae: {  	_ =	task [dreg:s5], $0x5FFFF  }
0xaf: {  	[dreg:$0x1] =	wrdreg $0xFFFFFFFF  }
0xb0: {  	[dreg:$0x0] =	wrdreg $0x60  }
0xb1: {  	[dreg:$0x2] =	wrdreg s22  }
0xb2: {  	[dreg:$0x3] =	wrdreg s14  }
0xb3: {  	[dreg:$0x4] =	wrdreg $0x108000  }
0xb4: {  	[dreg:$0x5] =	wrdreg $0x9  }
0xb5: {  	_ =	task.clear_ibuf [dreg:s5], $0x6FFFF;
	_ =	strace $0x90000046  }
0xb6: {  	s26 =	simm.s32 $0x9;
	_ =	strace $0x80000048  }
0xb7: {  	_ =	swait.ge [sflag:s26], $0x1  }
0xb8: {  	[sflag:s26] =	ssyncadd.s32 $0xFFFFFFFF  }
0xb9: {  	_ =	strace $0x90000048  }
0xba: {  	_ =	sfence  }
0xbb: {  	s28 =	sld [smem:$0x0];
	_ =	sdelay $0x1  }
0xbc: {  	s29 =	srdreg.scid  }
0xbd: {  	s30 =	sshll.u32 s29, $0xD;
	s31 =	sshrl.u32 s29, $0x2  }
0xbe: {  	s2 =	sand.u32 $0x4000, s30;
	s1 =	sand.u32 $0x1, s29;
	s0 =	sadd.s32 s31, s28  }
0xbf: {  	s1 =	sor.u32 s2, s1;
	s0 =	sshll.u32 s0, $0x11  }
0xc0: {  	s0 =	sor.u32 s0, s1  }
0xc1: {  	s0 =	sadd.s32 $0x8F2B, s0  }
0xc2: {  	[sflag:s0] =	ssyncadd.remote.s32 $0x1  }
0xc3: {  	_ =	sfence.sel $0xFFFF  }
0xc4: {  	[dreg:$0x0] =	wrdreg $0xFFFFFFFF;
	(pc) =	sbr.abs _section_cstart, $3  }
0xc5: {  	[dreg:$0x1] =	wrdreg $0xFFFFFFFF  }
0xc6: {  	_ =	task.clear_ibuf [dreg:s5], $0x2FFFF;
	_ =	strace $0x9FFFFFFF  }
0xc7: {  	(tm) =	ssettm $0x7FFFFFFF  }
tec
execute0_lowered:
.L_overlay_start_1:
0x0: {  	(tag) =	ssettag $0x1  }
0x1: {  	s3 =	rddreg [dreg:$0x0]  }
0x2: {  	s6 =	rddreg [dreg:$0x1]  }
0x3: {  	s2 =	rddreg [dreg:$0x2];
	s7 =	stileid.u32  }
0x4: {  	s0 =	rddreg [dreg:$0x3];
	s1 =	simm.s32 $0x0;
	s4 =	sshll.u32 s7, $0x8  }
0x5: {  	[smem:$0x7FF] =	sst s1;
	s4 =	sadd.s32 s4, s3  }
0x6: {  	s21 =	simm.s32 $0x3;
	_ =	strace $0x80000047;
	s4 =	sadd.s32 $0x1200, s4  }
0x7: {  	[tilespmem:s1], [sflag:$0x3] =	stream.linear.gather [hbm4b:s4+s1], $0x800, $0x38;
	[tilespmem:$0x10C00] =	vst v63  }
0x8: {  	_ =	swait.ge [sflag:s21], $0x800  }
0x9: {  	p0 =	sne.s32 s7, $0x0;
	s3 =	sadd.s32 $0x2200, s3;
	[sflag:s21] =	ssyncset.done $0x0  }
0xa: {  	s5 =	simm.s32 @!p0 $0x1C03;
	s4 =	sshrl.u32 @!p0 s2, $0x3;
	[sflag:s21] =	ssyncadd.s32 $0xFFFFF800  }
0xb: {  	[spmem:s4], [sflag:s5] =	dma.local @!p0 [hbm:s3], $0x800  }
0xc: {  	s3 =	simm.s32 @!p0 $0x3  }
0xd: {  	_ =	swait.ge @!p0 [sflag:s3], $0x800  }
0xe: {  	[sflag:s3] =	ssyncset.done @!p0 $0x0  }
0xf: {  	[sflag:s3] =	ssyncadd.s32 @!p0 $0xFFFFF800  }
0x10: {  	s10 =	simm.s32 $0x80;
	s9 =	simm.s32 $0x800;
	[bflag:$0x0] =	sbarrier.arrive $0xFFFF  }
0x11: {  	[tilespmem:s9], [sflag:$0x1] =	stream.indirect.gather [spmem:s2], $0x80, s1, s10, $0xb8;
	[tilespmem:$0x10C00] =	vst v63  }
0x12: {  	s8 =	simm.s32 $0x4800  }
0x13: {  	[tilespmem:s8], [sflag:$0x1] =	stream.indirect.gather [spmem:s2], $0x80, s10, s10, $0xb8;
	[tilespmem:$0x10C00] =	vst v63  }
0x14: {  	s22 =	simm.s32 $0x100;
	s5 =	simm.s32 $0x8800  }
0x15: {  	[tilespmem:s5], [sflag:$0x1] =	stream.indirect.gather [spmem:s2], $0x80, s22, s10, $0xb8;
	[tilespmem:$0x10C00] =	vst v63  }
0x16: {  	s23 =	simm.s32 $0x180;
	s4 =	simm.s32 $0x1;
	s3 =	simm.s32 $0xC800  }
0x17: {  	[tilespmem:s3], [sflag:$0x1] =	stream.indirect.gather [spmem:s2], $0x80, s23, s10, $0xb8;
	[tilespmem:$0x10C00] =	vst v63  }
0x18: {  	_ =	swait.ge [sflag:s4], $0x4000  }
0x19: {  	s7 =	sshll.u32 s7, $0xF;
	[sflag:s4] =	ssyncset.done $0x0  }
0x1a: {  	s7 =	sadd.s32 s6, s7;
	s6 =	simm.s32 $0x2;
	[sflag:s4] =	ssyncadd.s32 $0xFFFFC000  }
0x1b: {  	[hbm4b:s7+s1] =	stream.linear.scatter [tilespmem:s9], [sflag:$0x2], $0x4000, $0x38;
	[tilespmem:$0x10C00] =	vst v63  }
0x1c: {  	_ =	swait.ge [sflag:s6], $0x4000  }
0x1d: {  	[sflag:s6] =	ssyncset.done $0x0  }
0x1e: {  	s11 =	simm.s32 $0x200;
	[sflag:s6] =	ssyncadd.s32 $0xFFFFC000  }
0x1f: {  	[tilespmem:s9], [sflag:$0x1] =	stream.indirect.gather [spmem:s2], $0x80, s11, s10, $0xb8;
	[tilespmem:$0x10C00] =	vst v63  }
0x20: {  	_ =	swait.ge [sflag:s4], $0x4000  }
0x21: {  	[sflag:s4] =	ssyncset.done $0x0  }
0x22: {  	s24 =	sadd.s32 $0x800, s7;
	[sflag:s4] =	ssyncadd.s32 $0xFFFFC000  }
0x23: {  	[hbm4b:s24+s1] =	stream.linear.scatter [tilespmem:s8], [sflag:$0x2], $0x4000, $0x38;
	[tilespmem:$0x10C00] =	vst v63  }
0x24: {  	_ =	swait.ge [sflag:s6], $0x4000  }
0x25: {  	[sflag:s6] =	ssyncset.done $0x0  }
0x26: {  	s25 =	simm.s32 $0x280;
	[sflag:s6] =	ssyncadd.s32 $0xFFFFC000  }
0x27: {  	[tilespmem:s8], [sflag:$0x1] =	stream.indirect.gather [spmem:s2], $0x80, s25, s10, $0xb8;
	[tilespmem:$0x10C00] =	vst v63  }
0x28: {  	_ =	swait.ge [sflag:s4], $0x4000  }
0x29: {  	[sflag:s4] =	ssyncset.done $0x0  }
0x2a: {  	s26 =	sadd.s32 $0x1000, s7;
	[sflag:s4] =	ssyncadd.s32 $0xFFFFC000  }
0x2b: {  	[hbm4b:s26+s1] =	stream.linear.scatter [tilespmem:s5], [sflag:$0x2], $0x4000, $0x38;
	[tilespmem:$0x10C00] =	vst v63  }
0x2c: {  	_ =	swait.ge [sflag:s6], $0x4000  }
0x2d: {  	[sflag:s6] =	ssyncset.done $0x0  }
0x2e: {  	s28 =	simm.s32 $0x300;
	[sflag:s6] =	ssyncadd.s32 $0xFFFFC000  }
0x2f: {  	[tilespmem:s5], [sflag:$0x1] =	stream.indirect.gather [spmem:s2], $0x80, s28, s10, $0xb8;
	[tilespmem:$0x10C00] =	vst v63  }
0x30: {  	_ =	swait.ge [sflag:s4], $0x4000  }
0x31: {  	[sflag:s4] =	ssyncset.done $0x0  }
0x32: {  	s29 =	sadd.s32 $0x1800, s7;
	[sflag:s4] =	ssyncadd.s32 $0xFFFFC000  }
0x33: {  	[hbm4b:s29+s1] =	stream.linear.scatter [tilespmem:s3], [sflag:$0x2], $0x4000, $0x38;
	[tilespmem:$0x10C00] =	vst v63  }
0x34: {  	_ =	swait.ge [sflag:s6], $0x4000  }
0x35: {  	[sflag:s6] =	ssyncset.done $0x0  }
0x36: {  	s30 =	simm.s32 $0x380;
	[sflag:s6] =	ssyncadd.s32 $0xFFFFC000  }
0x37: {  	[tilespmem:s3], [sflag:$0x1] =	stream.indirect.gather [spmem:s2], $0x80, s30, s10, $0xb8;
	[tilespmem:$0x10C00] =	vst v63  }
0x38: {  	_ =	swait.ge [sflag:s4], $0x4000  }
0x39: {  	[sflag:s4] =	ssyncset.done $0x0  }
0x3a: {  	s31 =	sadd.s32 $0x2000, s7;
	[sflag:s4] =	ssyncadd.s32 $0xFFFFC000  }
0x3b: {  	[hbm4b:s31+s1] =	stream.linear.scatter [tilespmem:s9], [sflag:$0x2], $0x4000, $0x38;
	[tilespmem:$0x10C00] =	vst v63  }
0x3c: {  	_ =	swait.ge [sflag:s6], $0x4000  }
0x3d: {  	[sflag:s6] =	ssyncset.done $0x0  }
0x3e: {  	s12 =	simm.s32 $0x400;
	[sflag:s6] =	ssyncadd.s32 $0xFFFFC000  }
0x3f: {  	[tilespmem:s9], [sflag:$0x1] =	stream.indirect.gather [spmem:s2], $0x80, s12, s10, $0xb8;
	[tilespmem:$0x10C00] =	vst v63  }
0x40: {  	_ =	swait.ge [sflag:s4], $0x4000  }
0x41: {  	[sflag:s4] =	ssyncset.done $0x0  }
0x42: {  	s13 =	sadd.s32 $0x2800, s7;
	[sflag:s4] =	ssyncadd.s32 $0xFFFFC000  }
0x43: {  	[hbm4b:s13+s1] =	stream.linear.scatter [tilespmem:s8], [sflag:$0x2], $0x4000, $0x38;
	[tilespmem:$0x10C00] =	vst v63  }
0x44: {  	_ =	swait.ge [sflag:s6], $0x4000  }
0x45: {  	[sflag:s6] =	ssyncset.done $0x0  }
0x46: {  	s14 =	simm.s32 $0x480;
	[sflag:s6] =	ssyncadd.s32 $0xFFFFC000  }
0x47: {  	[tilespmem:s8], [sflag:$0x1] =	stream.indirect.gather [spmem:s2], $0x80, s14, s10, $0xb8;
	[tilespmem:$0x10C00] =	vst v63  }
0x48: {  	_ =	swait.ge [sflag:s4], $0x4000  }
0x49: {  	[sflag:s4] =	ssyncset.done $0x0  }
0x4a: {  	s15 =	sadd.s32 $0x3000, s7;
	[sflag:s4] =	ssyncadd.s32 $0xFFFFC000  }
0x4b: {  	[hbm4b:s15+s1] =	stream.linear.scatter [tilespmem:s5], [sflag:$0x2], $0x4000, $0x38;
	[tilespmem:$0x10C00] =	vst v63  }
0x4c: {  	_ =	swait.ge [sflag:s6], $0x4000  }
0x4d: {  	[sflag:s6] =	ssyncset.done $0x0  }
0x4e: {  	s16 =	simm.s32 $0x500;
	[sflag:s6] =	ssyncadd.s32 $0xFFFFC000  }
0x4f: {  	[tilespmem:s5], [sflag:$0x1] =	stream.indirect.gather [spmem:s2], $0x80, s16, s10, $0xb8;
	[tilespmem:$0x10C00] =	vst v63  }
0x50: {  	_ =	swait.ge [sflag:s4], $0x4000  }
0x51: {  	[sflag:s4] =	ssyncset.done $0x0  }
0x52: {  	s17 =	sadd.s32 $0x3800, s7;
	[sflag:s4] =	ssyncadd.s32 $0xFFFFC000  }
0x53: {  	[hbm4b:s17+s1] =	stream.linear.scatter [tilespmem:s3], [sflag:$0x2], $0x4000, $0x38;
	[tilespmem:$0x10C00] =	vst v63  }
0x54: {  	_ =	swait.ge [sflag:s6], $0x4000  }
0x55: {  	[sflag:s6] =	ssyncset.done $0x0  }
0x56: {  	s18 =	simm.s32 $0x580;
	[sflag:s6] =	ssyncadd.s32 $0xFFFFC000  }
0x57: {  	[tilespmem:s3], [sflag:$0x1] =	stream.indirect.gather [spmem:s2], $0x80, s18, s10, $0xb8;
	[tilespmem:$0x10C00] =	vst v63  }
0x58: {  	_ =	swait.ge [sflag:s4], $0x4000  }
0x59: {  	[sflag:s4] =	ssyncset.done $0x0  }
0x5a: {  	s19 =	sadd.s32 $0x4000, s7;
	[sflag:s4] =	ssyncadd.s32 $0xFFFFC000  }
0x5b: {  	[hbm4b:s19+s1] =	stream.linear.scatter [tilespmem:s9], [sflag:$0x2], $0x4000, $0x38;
	[tilespmem:$0x10C00] =	vst v63  }
0x5c: {  	_ =	swait.ge [sflag:s6], $0x4000  }
0x5d: {  	[sflag:s6] =	ssyncset.done $0x0  }
0x5e: {  	s20 =	simm.s32 $0x600;
	[sflag:s6] =	ssyncadd.s32 $0xFFFFC000  }
0x5f: {  	[tilespmem:s9], [sflag:$0x1] =	stream.indirect.gather [spmem:s2], $0x80, s20, s10, $0xb8;
	[tilespmem:$0x10C00] =	vst v63  }
0x60: {  	_ =	swait.ge [sflag:s4], $0x4000  }
0x61: {  	[sflag:s4] =	ssyncset.done $0x0  }
0x62: {  	s21 =	sadd.s32 $0x4800, s7;
	[sflag:s4] =	ssyncadd.s32 $0xFFFFC000  }
0x63: {  	[hbm4b:s21+s1] =	stream.linear.scatter [tilespmem:s8], [sflag:$0x2], $0x4000, $0x38;
	[tilespmem:$0x10C00] =	vst v63  }
0x64: {  	_ =	swait.ge [sflag:s6], $0x4000  }
0x65: {  	[sflag:s6] =	ssyncset.done $0x0  }
0x66: {  	s22 =	simm.s32 $0x680;
	[sflag:s6] =	ssyncadd.s32 $0xFFFFC000  }
0x67: {  	[tilespmem:s8], [sflag:$0x1] =	stream.indirect.gather [spmem:s2], $0x80, s22, s10, $0xb8;
	[tilespmem:$0x10C00] =	vst v63  }
0x68: {  	_ =	swait.ge [sflag:s4], $0x4000  }
0x69: {  	[sflag:s4] =	ssyncset.done $0x0  }
0x6a: {  	s23 =	sadd.s32 $0x5000, s7;
	[sflag:s4] =	ssyncadd.s32 $0xFFFFC000  }
0x6b: {  	[hbm4b:s23+s1] =	stream.linear.scatter [tilespmem:s5], [sflag:$0x2], $0x4000, $0x38;
	[tilespmem:$0x10C00] =	vst v63  }
0x6c: {  	_ =	swait.ge [sflag:s6], $0x4000  }
0x6d: {  	[sflag:s6] =	ssyncset.done $0x0  }
0x6e: {  	s24 =	simm.s32 $0x700;
	[sflag:s6] =	ssyncadd.s32 $0xFFFFC000  }
0x6f: {  	[tilespmem:s5], [sflag:$0x1] =	stream.indirect.gather [spmem:s2], $0x80, s24, s10, $0xb8;
	[tilespmem:$0x10C00] =	vst v63  }
0x70: {  	_ =	swait.ge [sflag:s4], $0x4000  }
0x71: {  	[sflag:s4] =	ssyncset.done $0x0  }
0x72: {  	s25 =	sadd.s32 $0x5800, s7;
	[sflag:s4] =	ssyncadd.s32 $0xFFFFC000  }
0x73: {  	[hbm4b:s25+s1] =	stream.linear.scatter [tilespmem:s3], [sflag:$0x2], $0x4000, $0x38;
	[tilespmem:$0x10C00] =	vst v63  }
0x74: {  	_ =	swait.ge [sflag:s6], $0x4000  }
0x75: {  	[sflag:s6] =	ssyncset.done $0x0  }
0x76: {  	s26 =	simm.s32 $0x780;
	[sflag:s6] =	ssyncadd.s32 $0xFFFFC000  }
0x77: {  	[tilespmem:s3], [sflag:$0x1] =	stream.indirect.gather [spmem:s2], $0x80, s26, s10, $0xb8;
	[tilespmem:$0x10C00] =	vst v63  }
0x78: {  	_ =	swait.ge [sflag:s4], $0x4000  }
0x79: {  	[sflag:s4] =	ssyncset.done $0x0  }
0x7a: {  	s28 =	sadd.s32 $0x6000, s7;
	[sflag:s4] =	ssyncadd.s32 $0xFFFFC000  }
0x7b: {  	[hbm4b:s28+s1] =	stream.linear.scatter [tilespmem:s9], [sflag:$0x2], $0x4000, $0x38;
	[tilespmem:$0x10C00] =	vst v63  }
0x7c: {  	_ =	swait.ge [sflag:s6], $0x4000  }
0x7d: {  	[sflag:s6] =	ssyncset.done $0x0  }
0x7e: {  	[sflag:s6] =	ssyncadd.s32 $0xFFFFC000  }
0x7f: {  	_ =	swait.ge [sflag:s4], $0x4000  }
0x80: {  	[sflag:s4] =	ssyncset.done $0x0  }
0x81: {  	s29 =	sadd.s32 $0x6800, s7;
	[sflag:s4] =	ssyncadd.s32 $0xFFFFC000  }
0x82: {  	[hbm4b:s29+s1] =	stream.linear.scatter [tilespmem:s8], [sflag:$0x2], $0x4000, $0x38;
	[tilespmem:$0x10C00] =	vst v63  }
0x83: {  	_ =	swait.ge [sflag:s6], $0x4000  }
0x84: {  	[sflag:s6] =	ssyncset.done $0x0  }
0x85: {  	[sflag:s6] =	ssyncadd.s32 $0xFFFFC000  }
0x86: {  	_ =	swait.ge [sflag:s4], $0x4000  }
0x87: {  	[sflag:s4] =	ssyncset.done $0x0  }
0x88: {  	s30 =	sadd.s32 $0x7000, s7;
	[sflag:s4] =	ssyncadd.s32 $0xFFFFC000  }
0x89: {  	[hbm4b:s30+s1] =	stream.linear.scatter [tilespmem:s5], [sflag:$0x2], $0x4000, $0x38;
	[tilespmem:$0x10C00] =	vst v63  }
0x8a: {  	_ =	swait.ge [sflag:s6], $0x4000  }
0x8b: {  	[sflag:s6] =	ssyncset.done $0x0  }
0x8c: {  	[sflag:s6] =	ssyncadd.s32 $0xFFFFC000  }
0x8d: {  	_ =	swait.ge [sflag:s4], $0x4000  }
0x8e: {  	[sflag:s4] =	ssyncset.done $0x0  }
0x8f: {  	s31 =	sadd.s32 $0x7800, s7;
	[sflag:s4] =	ssyncadd.s32 $0xFFFFC000  }
0x90: {  	[hbm4b:s31+s1] =	stream.linear.scatter [tilespmem:s3], [sflag:$0x2], $0x4000, $0x38;
	[tilespmem:$0x10C00] =	vst v63  }
0x91: {  	_ =	swait.ge [sflag:s6], $0x4000  }
0x92: {  	[sflag:s6] =	ssyncset.done $0x0  }
0x93: {  	[sflag:s6] =	ssyncadd.s32 $0xFFFFC000  }
0x94: {  	_ =	sfence.sel $0x180000  }
0x95: {  	[bflag:$0x0] =	sbarrier.arrive $0xFFFF  }
0x96: {  	_ =	strace $0x90000047  }
0x97: {  	s0 =	sadd.s32 @!p0 $0x100000, s0;
	[bflag:$0x2] =	sbarrier.arrive $0xFFFF  }
0x98: {  	[sflag:s0] =	ssyncadd.tile.s32 @!p0 $0x1;
	_ =	shalt  }
.Lfunc_end2:
_tile_overlayer_lowered:
.L_overlay_start_2:
0x99: {  	(tag) =	ssettag $0x2  }
0x9a: {  	s0 =	rddreg [dreg:$0x0];
	s2 =	stileid.u32  }
0x9b: {  	s1 =	rddreg [dreg:$0x1];
	p0 =	sne.s32 s2, $0x0  }
0x9c: {  	s3 =	rddreg [dreg:$0x2];
	[bflag:$0x3] =	sbarrier.arrive $0xFFFF;
	s2 =	simm.s32 @!p0 $0x1C03  }
0x9d: {  	[timem:s3], [sflag:s2] =	dma.local @!p0 [hbm:s0], s1  }
0x9e: {  	s0 =	simm.s32 @!p0 $0x3  }
0x9f: {  	_ =	swait.ge @!p0 [sflag:s0], s1  }
0xa0: {  	s1 =	ssub.s32 @!p0 $0x0, s1;
	[sflag:s0] =	ssyncset.done @!p0 $0x0  }
0xa1: {  	[sflag:s0] =	ssyncadd.s32 @!p0 s1  }
0xa2: {  	[bflag:$0x3] =	sbarrier.arrive $0xFFFF  }
0xa3: {  	_ =	shalt  }

</sc_bundles>
